<compile_context>
chip_gen: v7x
topology: tpu7x:2x2x1
jax: 0.10.2.dev20260603
libtpu: 0.0.44.dev20260713+nightly
codegen_flags: <defaults>
</compile_context>

<pallas_src>
import functools
import math

import jax
import jax.numpy as jnp
from jax import lax
from jax.experimental import pallas as pl
from jax.experimental.pallas import tpu as pltpu
from jax.experimental.pallas import tpu_sc as plsc

N = 10000
E = 320000
EMBED = 128
NHEAD = 8
HDIM = EMBED // NHEAD
DHID = 4 * EMBED

NC = 2
NS = 16
NW = NC * NS
PER_W = E // NW
CB = 80
NCHUNK = PER_W // CB
NPAD = 10240
RPS = NPAD // NS
KSTAGE = 25
NSTAGE = NCHUNK // KSTAGE

_mesh = plsc.VectorSubcoreMesh(core_axis_name="c", subcore_axis_name="s")


def _ln(x, g, b):
    m = jnp.mean(x, axis=-1, keepdims=True)
    v = jnp.mean((x - m) ** 2, axis=-1, keepdims=True)
    return (x - m) * jax.lax.rsqrt(v + 1e-5) * g + b


def _gelu(x):
    return 0.5 * x * (1.0 + jax.lax.erf(x * (1.0 / math.sqrt(2.0))))


def _qkv_body(f_ref, w_ref, b_ref, q_ref, k_ref, v_ref):
    o = (
        jnp.dot(f_ref[...], w_ref[...], preferred_element_type=jnp.float32)
        + b_ref[...]
    )
    q_ref[...] = o[:, :EMBED]
    k_ref[...] = o[:, EMBED:2 * EMBED]
    v_ref[...] = o[:, 2 * EMBED:]


def _qkv(feats, Wqkv_t, bqkv):
    BN = 1000
    sds = jax.ShapeDtypeStruct((N, EMBED), jnp.float32)
    return pl.pallas_call(
        _qkv_body,
        grid=(N // BN,),
        in_specs=[
            pl.BlockSpec((BN, EMBED), lambda i: (i, 0)),
            pl.BlockSpec((EMBED, 3 * EMBED), lambda i: (0, 0)),
            pl.BlockSpec((1, 3 * EMBED), lambda i: (0, 0)),
        ],
        out_specs=[pl.BlockSpec((BN, EMBED), lambda i: (i, 0))] * 3,
        out_shape=[sds, sds, sds],
    )(feats, Wqkv_t, bqkv)


def _edge_mlp_body(a_ref, w_ref, b_ref, o_ref):
    o_ref[...] = _gelu(
        jnp.dot(a_ref[...], w_ref[...], preferred_element_type=jnp.float32)
        + b_ref[...]
    )


def _edge_mlp(edge_attr, We_t, be):
    BE = 2000
    return pl.pallas_call(
        _edge_mlp_body,
        grid=(E // BE,),
        in_specs=[
            pl.BlockSpec((BE, EMBED), lambda i: (i, 0)),
            pl.BlockSpec((EMBED, EMBED), lambda i: (0, 0)),
            pl.BlockSpec((1, EMBED), lambda i: (0, 0)),
        ],
        out_specs=pl.BlockSpec((BE, EMBED), lambda i: (i, 0)),
        out_shape=jax.ShapeDtypeStruct((E, EMBED), jnp.float32),
    )(edge_attr, We_t, be)


@functools.partial(
    pl.kernel,
    out_type=(
        jax.ShapeDtypeStruct((NC, NPAD, EMBED), jnp.float32),
        jax.ShapeDtypeStruct((NC, NPAD, 16), jnp.float32),
    ),
    mesh=_mesh,
    scratch_types=[
        pltpu.VMEM((KSTAGE, CB), jnp.int32),
        pltpu.VMEM((KSTAGE, CB), jnp.int32),
        pltpu.VMEM((CB, EMBED), jnp.float32),
        pltpu.VMEM((CB, EMBED), jnp.float32),
        pltpu.VMEM((CB, EMBED), jnp.float32),
        pltpu.VMEM((CB, 16), jnp.float32),
        pltpu.VMEM_SHARED((NPAD, EMBED), jnp.float32),
        pltpu.VMEM_SHARED((NPAD, 16), jnp.float32),
        pltpu.SemaphoreType.DMA,
    ],
    compiler_params=pltpu.CompilerParams(use_tc_tiling_on_sc=False, needs_layout_passes=False),
)
def _sc_attention(q_hbm, k_hbm, v_hbm, r2d_hbm, c2d_hbm, z128_hbm, z8_hbm,
                  agg_out, seg_out, r_i, c_i, qb, kb, vb, exb,
                  agg_acc, seg_acc, sem):
    cid = lax.axis_index("c")
    sid = lax.axis_index("s")
    wid = cid * NS + sid
    pltpu.sync_copy(z128_hbm.at[pl.ds(sid * RPS, RPS)],
                    agg_acc.at[pl.ds(sid * RPS, RPS)])
    pltpu.sync_copy(z8_hbm.at[pl.ds(sid * RPS, RPS)],
                    seg_acc.at[pl.ds(sid * RPS, RPS)])
    plsc.subcore_barrier()

    def stage_body(s, carry0):
        pltpu.sync_copy(r2d_hbm.at[wid, pl.ds(s * KSTAGE, KSTAGE)], r_i)
        pltpu.sync_copy(c2d_hbm.at[wid, pl.ds(s * KSTAGE, KSTAGE)], c_i)
        pltpu.async_copy(q_hbm.at[c_i.at[0]], qb, sem)
        pltpu.async_copy(k_hbm.at[r_i.at[0]], kb, sem)
        pltpu.async_copy(v_hbm.at[r_i.at[0]], vb, sem)

        def chunk_body(jj, carry):
            cv = c_i.at[jj]
            pltpu.make_async_copy(q_hbm.at[pl.ds(0, CB)], qb, sem).wait()
            pltpu.make_async_copy(q_hbm.at[pl.ds(0, CB)], kb, sem).wait()
            pltpu.make_async_copy(q_hbm.at[pl.ds(0, CB)], vb, sem).wait()

            iota16 = lax.iota(jnp.int32, 16)

            @plsc.parallel_loop(0, CB, unroll=8)
            def edge_body(e):
                exrow = jnp.zeros((16,), jnp.float32)
                for h in range(NHEAD):
                    qv = qb[e, pl.ds(h * HDIM, HDIM)]
                    kv = kb[e, pl.ds(h * HDIM, HDIM)]
                    s = lax.reduce_sum(qv * kv, (0,)) * (1.0 / math.sqrt(HDIM))
                    exv = jnp.exp(lax.broadcast_in_dim(s, (16,), ()))
                    vb[e, pl.ds(h * HDIM, HDIM)] = (
                        vb[e, pl.ds(h * HDIM, HDIM)] * exv)
                    exrow = lax.select(iota16 == h, exv, exrow)
                plsc.store_scatter(
                    exb, [lax.broadcast_in_dim(e, (16,), ()), iota16], exrow)

            @pl.when(jj + 1 <= KSTAGE - 1)
            def _():
                pltpu.async_copy(q_hbm.at[c_i.at[jj + 1]], qb, sem)
                pltpu.async_copy(k_hbm.at[r_i.at[jj + 1]], kb, sem)

            pltpu.sync_copy(vb, agg_acc.at[cv], add=True)
            pltpu.sync_copy(exb, seg_acc.at[cv], add=True)

            @pl.when(jj + 1 <= KSTAGE - 1)
            def _():
                pltpu.async_copy(v_hbm.at[r_i.at[jj + 1]], vb, sem)
            return carry

        lax.fori_loop(0, KSTAGE, chunk_body, 0)
        return carry0

    lax.fori_loop(0, NSTAGE, stage_body, 0)
    plsc.subcore_barrier()
    pltpu.sync_copy(agg_acc.at[pl.ds(sid * RPS, RPS)],
                    agg_out.at[cid, pl.ds(sid * RPS, RPS)])
    pltpu.sync_copy(seg_acc.at[pl.ds(sid * RPS, RPS)],
                    seg_out.at[cid, pl.ds(sid * RPS, RPS)])


@functools.partial(
    pl.kernel,
    out_type=jax.ShapeDtypeStruct((NC, NPAD, EMBED), jnp.float32),
    mesh=_mesh,
    scratch_types=[
        pltpu.VMEM((NCHUNK, CB), jnp.int32),
        pltpu.VMEM((CB, EMBED), jnp.float32),
        pltpu.VMEM((CB, EMBED), jnp.float32),
        pltpu.VMEM_SHARED((NPAD, EMBED), jnp.float32),
        pltpu.SemaphoreType.DMA,
        pltpu.SemaphoreType.DMA,
    ],
    compiler_params=pltpu.CompilerParams(use_tc_tiling_on_sc=False, needs_layout_passes=False),
)
def _sc_edge_agg(na_hbm, r2d_hbm, z128_hbm, out_hbm, r_i, nb0, nb1, acc,
                 sem0, sem1):
    cid = lax.axis_index("c")
    sid = lax.axis_index("s")
    wid = cid * NS + sid
    pltpu.sync_copy(z128_hbm.at[pl.ds(sid * RPS, RPS)],
                    acc.at[pl.ds(sid * RPS, RPS)])
    pltpu.sync_copy(r2d_hbm.at[wid], r_i)
    plsc.subcore_barrier()

    nbufs = (nb0, nb1)
    sems = (sem0, sem1)
    base0 = wid * PER_W

    pltpu.async_copy(na_hbm.at[pl.ds(base0, CB)], nb0, sem0)
    pltpu.async_copy(na_hbm.at[pl.ds(base0 + CB, CB)], nb1, sem1)

    def pair_body(j2, carry):
        for b in range(2):
            t = j2 * 2 + b
            pltpu.make_async_copy(na_hbm.at[pl.ds(0, CB)], nbufs[b],
                                  sems[b]).wait()
            pltpu.sync_copy(nbufs[b], acc.at[r_i.at[t]], add=True)

            @pl.when(t + 2 <= NCHUNK - 1)
            def _():
                pltpu.async_copy(na_hbm.at[pl.ds(base0 + (t + 2) * CB, CB)],
                                 nbufs[b], sems[b])
        return carry

    lax.fori_loop(0, (NCHUNK - 1) // 2, pair_body, 0)
    pltpu.make_async_copy(na_hbm.at[pl.ds(0, CB)], nb0, sem0).wait()
    pltpu.sync_copy(nb0, acc.at[r_i.at[NCHUNK - 1]], add=True)
    plsc.subcore_barrier()
    pltpu.sync_copy(acc.at[pl.ds(sid * RPS, RPS)],
                    out_hbm.at[cid, pl.ds(sid * RPS, RPS)])


def _final_body(f_ref, agg_ref, seg_ref, eagg_ref, rep_ref, wo_ref, bo_ref,
                w1_ref, b1_ref, w2_ref, b2_ref, g_ref, bln_ref, o_ref):
    agg = agg_ref[0] + agg_ref[1]
    seg = seg_ref[0] + seg_ref[1]
    eagg = eagg_ref[0] + eagg_ref[1]
    den = jnp.dot(seg, rep_ref[...], preferred_element_type=jnp.float32) + 1e-16
    att = jnp.dot(agg / den, wo_ref[...], preferred_element_type=jnp.float32) \
        + bo_ref[...]
    g = g_ref[...]
    b = bln_ref[...]
    f1 = _ln(_gelu(f_ref[...] + att), g, b)
    f2 = _ln(_gelu(f1 + eagg), g, b)
    hdn = _gelu(jnp.dot(f2, w1_ref[...], preferred_element_type=jnp.float32)
                + b1_ref[...])
    ffn = jnp.dot(hdn, w2_ref[...], preferred_element_type=jnp.float32) + b2_ref[...]
    o_ref[...] = _ln(_gelu(f2 + ffn), g, b)


def _final(feats, agg2, seg2, eagg2, rep, Wo_t, bo, W1_t, b1, W2_t, b2, ln_g, ln_b):
    BN = 1000
    return pl.pallas_call(
        _final_body,
        grid=(N // BN,),
        in_specs=[
            pl.BlockSpec((BN, EMBED), lambda i: (i, 0)),
            pl.BlockSpec((NC, BN, EMBED), lambda i: (0, i, 0)),
            pl.BlockSpec((NC, BN, 16), lambda i: (0, i, 0)),
            pl.BlockSpec((NC, BN, EMBED), lambda i: (0, i, 0)),
            pl.BlockSpec((16, EMBED), lambda i: (0, 0)),
            pl.BlockSpec((EMBED, EMBED), lambda i: (0, 0)),
            pl.BlockSpec((1, EMBED), lambda i: (0, 0)),
            pl.BlockSpec((EMBED, DHID), lambda i: (0, 0)),
            pl.BlockSpec((1, DHID), lambda i: (0, 0)),
            pl.BlockSpec((DHID, EMBED), lambda i: (0, 0)),
            pl.BlockSpec((1, EMBED), lambda i: (0, 0)),
            pl.BlockSpec((1, EMBED), lambda i: (0, 0)),
            pl.BlockSpec((1, EMBED), lambda i: (0, 0)),
        ],
        out_specs=pl.BlockSpec((BN, EMBED), lambda i: (i, 0)),
        out_shape=jax.ShapeDtypeStruct((N, EMBED), jnp.float32),
    )(feats, agg2, seg2, eagg2, rep, Wo_t, bo, W1_t, b1, W2_t, b2, ln_g, ln_b)


def kernel(feats, edge_index, edge_attr, Wq, bq, Wk, bk, Wv, bv, Wo, bo,
           We, be, W1, b1, W2, b2, ln_g, ln_b):
    r2d = edge_index[:, 0].reshape(NW, NCHUNK, CB)
    c2d = edge_index[:, 1].reshape(NW, NCHUNK, CB)

    Wqkv_t = jnp.concatenate([Wq.T, Wk.T, Wv.T], axis=1)
    bqkv = jnp.concatenate([bq, bk, bv])[None, :]
    q, k, v = _qkv(feats, Wqkv_t, bqkv)

    z128 = jnp.zeros((NPAD, EMBED), jnp.float32)
    z8 = jnp.zeros((NPAD, 16), jnp.float32)

    agg2, seg2 = _sc_attention(q, k, v, r2d, c2d, z128, z8)

    node_attr = _edge_mlp(edge_attr, We.T, be[None, :])
    eagg2 = _sc_edge_agg(node_attr, r2d, z128)

    rep = jnp.concatenate(
        [jnp.repeat(jnp.eye(NHEAD, dtype=jnp.float32), HDIM, axis=1),
         jnp.zeros((16 - NHEAD, EMBED), jnp.float32)], axis=0)

    out = _final(feats, agg2, seg2, eagg2, rep, Wo.T, bo[None, :],
                 W1.T, b1[None, :], W2.T, b2[None, :], ln_g[None, :], ln_b[None, :])
    return (out, edge_index, edge_attr)

# --- scband reference (transcript-rebuilt; emitter-appended) ---
"""Pipeline reference for scband-gatnwtwork-1632087573109 (READ-ONLY COPY).

The authoritative reference and input builder live on the scoring server;
editing this copy changes nothing except your own understanding.
"""

import jax, jax.numpy as jnp
import numpy as np
import math

N = 10000
E = 320000
EMBED = 128
NHEAD = 8
HDIM = EMBED // NHEAD
DHID = 4 * EMBED


def _layernorm(x, g, b):
    m = jnp.mean(x, axis=-1, keepdims=True)
    v = jnp.mean((x - m) ** 2, axis=-1, keepdims=True)
    return (x - m) / jnp.sqrt(v + 1e-5) * g + b


def _norm(x, g, b):
    # Sequential(GELU(), LayerNorm(embed_dim))
    return _layernorm(jax.nn.gelu(x, approximate=False), g, b)


def setup_inputs(seed: int = 0) -> dict:
    key = jax.random.key(seed)
    ks = jax.random.split(key, 24)
    feats = jax.random.normal(ks[0], (N, EMBED), jnp.float32)
    edge_index = jax.random.randint(ks[1], (E, 2), 0, N, dtype=jnp.int32)
    edge_attr = jax.random.normal(ks[2], (E, EMBED), jnp.float32)
    s = 1.0 / math.sqrt(EMBED)
    Wq = jax.random.normal(ks[3], (EMBED, EMBED), jnp.float32) * s
    bq = jnp.zeros((EMBED,), jnp.float32)
    Wk = jax.random.normal(ks[4], (EMBED, EMBED), jnp.float32) * s
    bk = jnp.zeros((EMBED,), jnp.float32)
    Wv = jax.random.normal(ks[5], (EMBED, EMBED), jnp.float32) * s
    bv = jnp.zeros((EMBED,), jnp.float32)
    Wo = jax.random.normal(ks[6], (EMBED, EMBED), jnp.float32) * s
    bo = jnp.zeros((EMBED,), jnp.float32)
    We = jax.random.normal(ks[7], (EMBED, EMBED), jnp.float32) * s
    be = jax.random.normal(ks[8], (EMBED,), jnp.float32) * 0.01
    W1 = jax.random.normal(ks[9], (DHID, EMBED), jnp.float32) * s
    b1 = jax.random.normal(ks[10], (DHID,), jnp.float32) * 0.01
    W2 = jax.random.normal(ks[11], (EMBED, DHID), jnp.float32) * (1.0 / math.sqrt(DHID))
    b2 = jax.random.normal(ks[12], (EMBED,), jnp.float32) * 0.01
    ln_g = jnp.ones((EMBED,), jnp.float32)
    ln_b = jnp.zeros((EMBED,), jnp.float32)
    return {
        'feats': feats, 'edge_index': edge_index, 'edge_attr': edge_attr,
        'Wq': Wq, 'bq': bq, 'Wk': Wk, 'bk': bk, 'Wv': Wv, 'bv': bv,
        'Wo': Wo, 'bo': bo, 'We': We, 'be': be,
        'W1': W1, 'b1': b1, 'W2': W2, 'b2': b2,
        'ln_g': ln_g, 'ln_b': ln_b,
    }


def _forward(feats, edge_attr, Wq, bq, Wk, bk, Wv, bv, Wo, bo, We, be, W1, b1, W2, b2, ln_g, ln_b, edge_index):
    bs = feats.shape[0]
    r = edge_index[:, 0]
    c = edge_index[:, 1]
    q = (feats @ Wq.T + bq).reshape(bs, NHEAD, HDIM).transpose(1, 0, 2)
    k = (feats @ Wk.T + bk).reshape(bs, NHEAD, HDIM).transpose(1, 0, 2)
    v = (feats @ Wv.T + bv).reshape(bs, NHEAD, HDIM).transpose(1, 0, 2)
    # scores[h, e] = <q[h, c[e]], k[h, r[e]]> / sqrt(hdim)
    q_c = jnp.take(q, c, axis=1)  # [H, E, hd]
    k_r = jnp.take(k, r, axis=1)  # [H, E, hd]
    scores = jnp.sum(q_c * k_r, axis=-1) / math.sqrt(HDIM)  # [H, E]
    # segment softmax over destination node c (per head)
    sc = scores.T  # [E, H]
    seg_max = jax.ops.segment_max(sc, c, num_segments=bs)  # [N, H]
    ex = jnp.exp(sc - jnp.take(seg_max, c, axis=0))
    seg_sum = jax.ops.segment_sum(ex, c, num_segments=bs)
    attn = ex / (jnp.take(seg_sum, c, axis=0) + 1e-16)  # [E, H]
    v_r = jnp.take(v, r, axis=1).transpose(1, 0, 2)  # [E, H, hd]
    weighted = attn[:, :, None] * v_r  # [E, H, hd]
    agg = jax.ops.segment_sum(weighted.reshape(E, NHEAD * HDIM), c, num_segments=bs)  # [N, EMBED]
    att_out = agg @ Wo.T + bo
    feats_ = _norm(feats + att_out, ln_g, ln_b)
    node_attr = jax.nn.gelu(edge_attr @ We.T + be, approximate=False)
    edge_agg = jax.ops.segment_sum(node_attr, r, num_segments=bs)
    feats_att = _norm(feats_ + edge_agg, ln_g, ln_b)
    ffn = jax.nn.gelu(feats_att @ W1.T + b1, approximate=False) @ W2.T + b2
    out = _norm(feats_att + ffn, ln_g, ln_b)
    return out


def reference(feats, edge_index, edge_attr, Wq, bq, Wk, bk, Wv, bv, Wo, bo, We, be, W1, b1, W2, b2, ln_g, ln_b):
    out = _forward(feats, edge_attr, Wq, bq, Wk, bk, Wv, bv, Wo, bo, We, be, W1, b1, W2, b2, ln_g, ln_b, edge_index)
    return (out, edge_index, edge_attr)

if __name__ == "__main__":
    import jax
    _d = setup_inputs()
    print(jax.jit(kernel)(*tuple(_d.values())))

</pallas_src>

<mosaic_0001>
#map = affine_map<(d0, d1) -> (0, 0)>
#map1 = affine_map<(d0, d1) -> (0, 0, 0)>
module attributes {stable_mosaic.version = 14 : i64} {
  func.func @_sc_attention(%arg0: i32, %arg1: i32, %arg2: memref<10000x128xf32, #tpu.memory_space<hbm>>, %arg3: memref<10000x128xf32, #tpu.memory_space<hbm>>, %arg4: memref<10000x128xf32, #tpu.memory_space<hbm>>, %arg5: memref<32x125x80xi32, #tpu.memory_space<hbm>>, %arg6: memref<32x125x80xi32, #tpu.memory_space<hbm>>, %arg7: memref<10240x128xf32, #tpu.memory_space<hbm>>, %arg8: memref<10240x16xf32, #tpu.memory_space<hbm>>, %arg9: memref<2x10240x128xf32, #tpu.memory_space<hbm>>, %arg10: memref<2x10240x16xf32, #tpu.memory_space<hbm>>, %arg11: memref<25x80xi32, #tpu.memory_space<vmem>>, %arg12: memref<25x80xi32, #tpu.memory_space<vmem>>, %arg13: memref<80x128xf32, #tpu.memory_space<vmem>>, %arg14: memref<80x128xf32, #tpu.memory_space<vmem>>, %arg15: memref<80x128xf32, #tpu.memory_space<vmem>>, %arg16: memref<80x16xf32, #tpu.memory_space<vmem>>, %arg17: memref<10240x128xf32, #tpu.memory_space<vmem_shared>>, %arg18: memref<10240x16xf32, #tpu.memory_space<vmem_shared>>, %arg19: memref<!tpu.dma_semaphore, #tpu.memory_space<semaphore_mem>>) attributes {dimension_semantics = [#tpu.dimension_semantics<core_parallel>, #tpu.dimension_semantics<subcore_parallel>], iteration_bounds = array<i64: 2, 16>, scalar_prefetch = 0 : i64, scratch_operands = 9 : i64, tpu.core_type = #tpu.core_type<sc_vector_subcore>, window_params = [{transform_indices = #map}, {transform_indices = #map}, {transform_indices = #map}, {transform_indices = #map1}, {transform_indices = #map1}, {transform_indices = #map}, {transform_indices = #map}, {transform_indices = #map1}, {transform_indices = #map1}]} {
    %mul3A = arith.constant 16 : i32
    %mul3A_0 = arith.muli %arg0, %mul3A : i32
    %add3A = arith.addi %mul3A_0, %arg1 : i32
    %mul3A_1 = arith.constant 640 : i32
    %mul3A_2 = arith.muli %arg1, %mul3A_1 : i32
    %mul3A_3 = arith.constant 640 : i32
    %mul3A_4 = arith.muli %arg1, %mul3A_3 : i32
    "tpu.region"() ({
      %run_scoped3A = tpu.sem_alloc : memref<!tpu.dma_semaphore, #tpu.memory_space<semaphore_mem>>
      %dma_start3A = arith.constant 0 : i32
      %dma_start3A_23 = tpu.memref_slice %arg17[%mul3A_4, %dma_start3A] : memref<10240x128xf32, #tpu.memory_space<vmem_shared>> -> memref<640x128xf32, #tpu.memory_space<vmem_shared>>
      %dma_start3A_24 = arith.constant 0 : i32
      %dma_start3A_25 = tpu.memref_slice %arg7[%mul3A_2, %dma_start3A_24] : memref<10240x128xf32, #tpu.memory_space<hbm>> -> memref<640x128xf32, #tpu.memory_space<hbm>>
      tpu.enqueue_dma source(%dma_start3A_25 : memref<640x128xf32, #tpu.memory_space<hbm>>) target(%dma_start3A_23 : memref<640x128xf32, #tpu.memory_space<vmem_shared>>) target_semaphore(%run_scoped3A : memref<!tpu.dma_semaphore, #tpu.memory_space<semaphore_mem>>)
      %dma_wait3A = arith.constant 0 : i32
      %dma_wait3A_26 = tpu.memref_slice %arg17[%mul3A_4, %dma_wait3A] : memref<10240x128xf32, #tpu.memory_space<vmem_shared>> -> memref<640x128xf32, #tpu.memory_space<vmem_shared>>
      %dma_wait3A_27 = arith.constant 0 : i32
      %dma_wait3A_28 = tpu.memref_slice %arg7[%mul3A_2, %dma_wait3A_27] : memref<10240x128xf32, #tpu.memory_space<hbm>> -> memref<640x128xf32, #tpu.memory_space<hbm>>
      tpu.wait_dma2 semaphore(%run_scoped3A : memref<!tpu.dma_semaphore, #tpu.memory_space<semaphore_mem>>) src(%dma_wait3A_28 : memref<640x128xf32, #tpu.memory_space<hbm>>) dst(%dma_wait3A_26 : memref<640x128xf32, #tpu.memory_space<vmem_shared>>)
      tpu.yield
    }) : () -> ()
    %mul3A_5 = arith.constant 640 : i32
    %mul3A_6 = arith.muli %arg1, %mul3A_5 : i32
    %mul3A_7 = arith.constant 640 : i32
    %mul3A_8 = arith.muli %arg1, %mul3A_7 : i32
    "tpu.region"() ({
      %run_scoped3A = tpu.sem_alloc : memref<!tpu.dma_semaphore, #tpu.memory_space<semaphore_mem>>
      %dma_start3A = arith.constant 0 : i32
      %dma_start3A_23 = tpu.memref_slice %arg18[%mul3A_8, %dma_start3A] : memref<10240x16xf32, #tpu.memory_space<vmem_shared>> -> memref<640x16xf32, #tpu.memory_space<vmem_shared>>
      %dma_start3A_24 = arith.constant 0 : i32
      %dma_start3A_25 = tpu.memref_slice %arg8[%mul3A_6, %dma_start3A_24] : memref<10240x16xf32, #tpu.memory_space<hbm>> -> memref<640x16xf32, #tpu.memory_space<hbm>>
      tpu.enqueue_dma source(%dma_start3A_25 : memref<640x16xf32, #tpu.memory_space<hbm>>) target(%dma_start3A_23 : memref<640x16xf32, #tpu.memory_space<vmem_shared>>) target_semaphore(%run_scoped3A : memref<!tpu.dma_semaphore, #tpu.memory_space<semaphore_mem>>)
      %dma_wait3A = arith.constant 0 : i32
      %dma_wait3A_26 = tpu.memref_slice %arg18[%mul3A_8, %dma_wait3A] : memref<10240x16xf32, #tpu.memory_space<vmem_shared>> -> memref<640x16xf32, #tpu.memory_space<vmem_shared>>
      %dma_wait3A_27 = arith.constant 0 : i32
      %dma_wait3A_28 = tpu.memref_slice %arg8[%mul3A_6, %dma_wait3A_27] : memref<10240x16xf32, #tpu.memory_space<hbm>> -> memref<640x16xf32, #tpu.memory_space<hbm>>
      tpu.wait_dma2 semaphore(%run_scoped3A : memref<!tpu.dma_semaphore, #tpu.memory_space<semaphore_mem>>) src(%dma_wait3A_28 : memref<640x16xf32, #tpu.memory_space<hbm>>) dst(%dma_wait3A_26 : memref<640x16xf32, #tpu.memory_space<vmem_shared>>)
      tpu.yield
    }) : () -> ()
    %barrier3A = arith.constant 0 : index
    tpu.barrier barrier_id(%barrier3A)
    %scan3A = arith.constant 0 : i32
    %scan3A_9 = arith.constant 0 : i32
    %scan3A_10 = arith.constant 5 : i32
    %scan3A_11 = arith.addi %scan3A_9, %scan3A_10 : i32
    %scan3A_12 = arith.constant 1 : i32
    scf.for %scan3A_23 = %scan3A_9 to %scan3A_11 step %scan3A_12  : i32 {
      %mul3A_24 = arith.constant 25 : i32
      %mul3A_25 = arith.muli %scan3A_23, %mul3A_24 : i32
      "tpu.region"() ({
        %run_scoped3A = tpu.sem_alloc : memref<!tpu.dma_semaphore, #tpu.memory_space<semaphore_mem>>
        %dma_start3A_54 = arith.constant 0 : i32
        %dma_start3A_55 = tpu.memref_slice %arg5[%add3A, %mul3A_25, %dma_start3A_54] : memref<32x125x80xi32, #tpu.memory_space<hbm>> -> memref<1x25x80xi32, #tpu.memory_space<hbm>>
        %dma_start3A_56 = tpu.memref_squeeze %dma_start3A_55 : memref<1x25x80xi32, #tpu.memory_space<hbm>> -> memref<25x80xi32, #tpu.memory_space<hbm>>
        %dma_start3A_57 = arith.constant 0 : i32
        %dma_start3A_58 = tpu.memref_slice %arg5[%add3A, %mul3A_25, %dma_start3A_57] : memref<32x125x80xi32, #tpu.memory_space<hbm>> -> memref<1x25x80xi32, #tpu.memory_space<hbm>>
        %dma_start3A_59 = tpu.memref_squeeze %dma_start3A_58 : memref<1x25x80xi32, #tpu.memory_space<hbm>> -> memref<25x80xi32, #tpu.memory_space<hbm>>
        tpu.enqueue_dma source(%dma_start3A_59 : memref<25x80xi32, #tpu.memory_space<hbm>>) target(%arg11 : memref<25x80xi32, #tpu.memory_space<vmem>>) target_semaphore(%run_scoped3A : memref<!tpu.dma_semaphore, #tpu.memory_space<semaphore_mem>>)
        %dma_wait3A = arith.constant 0 : i32
        %dma_wait3A_60 = tpu.memref_slice %arg5[%add3A, %mul3A_25, %dma_wait3A] : memref<32x125x80xi32, #tpu.memory_space<hbm>> -> memref<1x25x80xi32, #tpu.memory_space<hbm>>
        %dma_wait3A_61 = tpu.memref_squeeze %dma_wait3A_60 : memref<1x25x80xi32, #tpu.memory_space<hbm>> -> memref<25x80xi32, #tpu.memory_space<hbm>>
        %dma_wait3A_62 = arith.constant 0 : i32
        %dma_wait3A_63 = tpu.memref_slice %arg5[%add3A, %mul3A_25, %dma_wait3A_62] : memref<32x125x80xi32, #tpu.memory_space<hbm>> -> memref<1x25x80xi32, #tpu.memory_space<hbm>>
        %dma_wait3A_64 = tpu.memref_squeeze %dma_wait3A_63 : memref<1x25x80xi32, #tpu.memory_space<hbm>> -> memref<25x80xi32, #tpu.memory_space<hbm>>
        tpu.wait_dma2 semaphore(%run_scoped3A : memref<!tpu.dma_semaphore, #tpu.memory_space<semaphore_mem>>) src(%dma_wait3A_64 : memref<25x80xi32, #tpu.memory_space<hbm>>) dst(%arg11 : memref<25x80xi32, #tpu.memory_space<vmem>>)
        tpu.yield
      }) : () -> ()
      %mul3A_26 = arith.constant 25 : i32
      %mul3A_27 = arith.muli %scan3A_23, %mul3A_26 : i32
      "tpu.region"() ({
        %run_scoped3A = tpu.sem_alloc : memref<!tpu.dma_semaphore, #tpu.memory_space<semaphore_mem>>
        %dma_start3A_54 = arith.constant 0 : i32
        %dma_start3A_55 = tpu.memref_slice %arg6[%add3A, %mul3A_27, %dma_start3A_54] : memref<32x125x80xi32, #tpu.memory_space<hbm>> -> memref<1x25x80xi32, #tpu.memory_space<hbm>>
        %dma_start3A_56 = tpu.memref_squeeze %dma_start3A_55 : memref<1x25x80xi32, #tpu.memory_space<hbm>> -> memref<25x80xi32, #tpu.memory_space<hbm>>
        %dma_start3A_57 = arith.constant 0 : i32
        %dma_start3A_58 = tpu.memref_slice %arg6[%add3A, %mul3A_27, %dma_start3A_57] : memref<32x125x80xi32, #tpu.memory_space<hbm>> -> memref<1x25x80xi32, #tpu.memory_space<hbm>>
        %dma_start3A_59 = tpu.memref_squeeze %dma_start3A_58 : memref<1x25x80xi32, #tpu.memory_space<hbm>> -> memref<25x80xi32, #tpu.memory_space<hbm>>
        tpu.enqueue_dma source(%dma_start3A_59 : memref<25x80xi32, #tpu.memory_space<hbm>>) target(%arg12 : memref<25x80xi32, #tpu.memory_space<vmem>>) target_semaphore(%run_scoped3A : memref<!tpu.dma_semaphore, #tpu.memory_space<semaphore_mem>>)
        %dma_wait3A = arith.constant 0 : i32
        %dma_wait3A_60 = tpu.memref_slice %arg6[%add3A, %mul3A_27, %dma_wait3A] : memref<32x125x80xi32, #tpu.memory_space<hbm>> -> memref<1x25x80xi32, #tpu.memory_space<hbm>>
        %dma_wait3A_61 = tpu.memref_squeeze %dma_wait3A_60 : memref<1x25x80xi32, #tpu.memory_space<hbm>> -> memref<25x80xi32, #tpu.memory_space<hbm>>
        %dma_wait3A_62 = arith.constant 0 : i32
        %dma_wait3A_63 = tpu.memref_slice %arg6[%add3A, %mul3A_27, %dma_wait3A_62] : memref<32x125x80xi32, #tpu.memory_space<hbm>> -> memref<1x25x80xi32, #tpu.memory_space<hbm>>
        %dma_wait3A_64 = tpu.memref_squeeze %dma_wait3A_63 : memref<1x25x80xi32, #tpu.memory_space<hbm>> -> memref<25x80xi32, #tpu.memory_space<hbm>>
        tpu.wait_dma2 semaphore(%run_scoped3A : memref<!tpu.dma_semaphore, #tpu.memory_space<semaphore_mem>>) src(%dma_wait3A_64 : memref<25x80xi32, #tpu.memory_space<hbm>>) dst(%arg12 : memref<25x80xi32, #tpu.memory_space<vmem>>)
        tpu.yield
      }) : () -> ()
      %dma_start3A = arith.constant 0 : i32
      %dma_start3A_28 = arith.constant 0 : i32
      %dma_start3A_29 = tpu.memref_slice %arg12[%dma_start3A, %dma_start3A_28] : memref<25x80xi32, #tpu.memory_space<vmem>> -> memref<1x80xi32, #tpu.memory_space<vmem>>
      %dma_start3A_30 = tpu.memref_squeeze %dma_start3A_29 : memref<1x80xi32, #tpu.memory_space<vmem>> -> memref<80xi32, #tpu.memory_space<vmem>>
      %dma_start3A_31 = arith.constant 0 : i32
      %dma_start3A_32 = arith.constant 0 : i32
      %dma_start3A_33 = tpu.memref_slice %arg2[%dma_start3A_31, %dma_start3A_32] : memref<10000x128xf32, #tpu.memory_space<hbm>> -> memref<10000x128xf32, #tpu.memory_space<hbm>>
      tpu.enqueue_indirect_dma source(%dma_start3A_33 : memref<10000x128xf32, #tpu.memory_space<hbm>>) target(%arg13 : memref<80x128xf32, #tpu.memory_space<vmem>>) offsets(%dma_start3A_30 : memref<80xi32, #tpu.memory_space<vmem>>) semaphore(%arg19 : memref<!tpu.dma_semaphore, #tpu.memory_space<semaphore_mem>>)
      %dma_start3A_34 = arith.constant 0 : i32
      %dma_start3A_35 = arith.constant 0 : i32
      %dma_start3A_36 = tpu.memref_slice %arg11[%dma_start3A_34, %dma_start3A_35] : memref<25x80xi32, #tpu.memory_space<vmem>> -> memref<1x80xi32, #tpu.memory_space<vmem>>
      %dma_start3A_37 = tpu.memref_squeeze %dma_start3A_36 : memref<1x80xi32, #tpu.memory_space<vmem>> -> memref<80xi32, #tpu.memory_space<vmem>>
      %dma_start3A_38 = arith.constant 0 : i32
      %dma_start3A_39 = arith.constant 0 : i32
      %dma_start3A_40 = tpu.memref_slice %arg3[%dma_start3A_38, %dma_start3A_39] : memref<10000x128xf32, #tpu.memory_space<hbm>> -> memref<10000x128xf32, #tpu.memory_space<hbm>>
      tpu.enqueue_indirect_dma source(%dma_start3A_40 : memref<10000x128xf32, #tpu.memory_space<hbm>>) target(%arg14 : memref<80x128xf32, #tpu.memory_space<vmem>>) offsets(%dma_start3A_37 : memref<80xi32, #tpu.memory_space<vmem>>) semaphore(%arg19 : memref<!tpu.dma_semaphore, #tpu.memory_space<semaphore_mem>>)
      %dma_start3A_41 = arith.constant 0 : i32
      %dma_start3A_42 = arith.constant 0 : i32
      %dma_start3A_43 = tpu.memref_slice %arg11[%dma_start3A_41, %dma_start3A_42] : memref<25x80xi32, #tpu.memory_space<vmem>> -> memref<1x80xi32, #tpu.memory_space<vmem>>
      %dma_start3A_44 = tpu.memref_squeeze %dma_start3A_43 : memref<1x80xi32, #tpu.memory_space<vmem>> -> memref<80xi32, #tpu.memory_space<vmem>>
      %dma_start3A_45 = arith.constant 0 : i32
      %dma_start3A_46 = arith.constant 0 : i32
      %dma_start3A_47 = tpu.memref_slice %arg4[%dma_start3A_45, %dma_start3A_46] : memref<10000x128xf32, #tpu.memory_space<hbm>> -> memref<10000x128xf32, #tpu.memory_space<hbm>>
      tpu.enqueue_indirect_dma source(%dma_start3A_47 : memref<10000x128xf32, #tpu.memory_space<hbm>>) target(%arg15 : memref<80x128xf32, #tpu.memory_space<vmem>>) offsets(%dma_start3A_44 : memref<80xi32, #tpu.memory_space<vmem>>) semaphore(%arg19 : memref<!tpu.dma_semaphore, #tpu.memory_space<semaphore_mem>>)
      %scan3A_48 = arith.constant 0 : i32
      %scan3A_49 = arith.constant 0 : i32
      %scan3A_50 = arith.constant 25 : i32
      %scan3A_51 = arith.addi %scan3A_49, %scan3A_50 : i32
      %scan3A_52 = arith.constant 1 : i32
      scf.for %scan3A_54 = %scan3A_49 to %scan3A_51 step %scan3A_52  : i32 {
        %dma_wait3A = arith.constant 0 : i32
        %dma_wait3A_55 = arith.constant 0 : i32
        %dma_wait3A_56 = tpu.memref_slice %arg2[%dma_wait3A, %dma_wait3A_55] : memref<10000x128xf32, #tpu.memory_space<hbm>> -> memref<80x128xf32, #tpu.memory_space<hbm>>
        %dma_wait3A_57 = arith.constant 0 : i32
        %dma_wait3A_58 = arith.constant 0 : i32
        %dma_wait3A_59 = tpu.memref_slice %arg2[%dma_wait3A_57, %dma_wait3A_58] : memref<10000x128xf32, #tpu.memory_space<hbm>> -> memref<80x128xf32, #tpu.memory_space<hbm>>
        tpu.wait_dma2 semaphore(%arg19 : memref<!tpu.dma_semaphore, #tpu.memory_space<semaphore_mem>>) src(%dma_wait3A_59 : memref<80x128xf32, #tpu.memory_space<hbm>>) dst(%arg13 : memref<80x128xf32, #tpu.memory_space<vmem>>)
        %dma_wait3A_60 = arith.constant 0 : i32
        %dma_wait3A_61 = arith.constant 0 : i32
        %dma_wait3A_62 = tpu.memref_slice %arg2[%dma_wait3A_60, %dma_wait3A_61] : memref<10000x128xf32, #tpu.memory_space<hbm>> -> memref<80x128xf32, #tpu.memory_space<hbm>>
        %dma_wait3A_63 = arith.constant 0 : i32
        %dma_wait3A_64 = arith.constant 0 : i32
        %dma_wait3A_65 = tpu.memref_slice %arg2[%dma_wait3A_63, %dma_wait3A_64] : memref<10000x128xf32, #tpu.memory_space<hbm>> -> memref<80x128xf32, #tpu.memory_space<hbm>>
        tpu.wait_dma2 semaphore(%arg19 : memref<!tpu.dma_semaphore, #tpu.memory_space<semaphore_mem>>) src(%dma_wait3A_65 : memref<80x128xf32, #tpu.memory_space<hbm>>) dst(%arg14 : memref<80x128xf32, #tpu.memory_space<vmem>>)
        %dma_wait3A_66 = arith.constant 0 : i32
        %dma_wait3A_67 = arith.constant 0 : i32
        %dma_wait3A_68 = tpu.memref_slice %arg2[%dma_wait3A_66, %dma_wait3A_67] : memref<10000x128xf32, #tpu.memory_space<hbm>> -> memref<80x128xf32, #tpu.memory_space<hbm>>
        %dma_wait3A_69 = arith.constant 0 : i32
        %dma_wait3A_70 = arith.constant 0 : i32
        %dma_wait3A_71 = tpu.memref_slice %arg2[%dma_wait3A_69, %dma_wait3A_70] : memref<10000x128xf32, #tpu.memory_space<hbm>> -> memref<80x128xf32, #tpu.memory_space<hbm>>
        tpu.wait_dma2 semaphore(%arg19 : memref<!tpu.dma_semaphore, #tpu.memory_space<semaphore_mem>>) src(%dma_wait3A_71 : memref<80x128xf32, #tpu.memory_space<hbm>>) dst(%arg15 : memref<80x128xf32, #tpu.memory_space<vmem>>)
        %iota3A = tpu.iota {dimensions = array<i32: 0>} : vector<16xi32>
        %parallel_loop3A = arith.constant 0 : i32
        %parallel_loop3A_72 = arith.constant 80 : i32
        %parallel_loop3A_73 = arith.constant 1 : i32
        scf.for %parallel_loop3A_85 = %parallel_loop3A to %parallel_loop3A_72 step %parallel_loop3A_73  : i32 {
          %parallel_loop3A_86 = arith.constant 0.000000e+00 : f32
          %parallel_loop3A_87 = vector.broadcast %parallel_loop3A_86 : f32 to vector<16xf32>
          %parallel_loop3A_88 = arith.index_cast %parallel_loop3A_85 : i32 to index
          %parallel_loop3A_89 = arith.constant 0 : index
          %parallel_loop3A_90 = tpu.vector_load %arg13[%parallel_loop3A_88, %parallel_loop3A_89] {strides = array<i32>} : memref<80x128xf32, #tpu.memory_space<vmem>>, vector<16xf32>,
          %parallel_loop3A_91 = arith.index_cast %parallel_loop3A_85 : i32 to index
          %parallel_loop3A_92 = arith.constant 0 : index
          %parallel_loop3A_93 = tpu.vector_load %arg14[%parallel_loop3A_91, %parallel_loop3A_92] {strides = array<i32>} : memref<80x128xf32, #tpu.memory_space<vmem>>, vector<16xf32>,
          %parallel_loop3A_94 = arith.mulf %parallel_loop3A_90, %parallel_loop3A_93 : vector<16xf32>
          %parallel_loop3A_95 = arith.constant true
          %parallel_loop3A_96 = vector.broadcast %parallel_loop3A_95 : i1 to vector<16xi1>
          %parallel_loop3A_97 = tpu.scan <sum>, %parallel_loop3A_94 masked %parallel_loop3A_96 : vector<16xf32>, vector<16xi1> -> vector<16xf32>
          %parallel_loop3A_98 = vector.extract %parallel_loop3A_97[15] : f32 from vector<16xf32>
          %parallel_loop3A_99 = arith.constant 2.500000e-01 : f32
          %parallel_loop3A_100 = arith.mulf %parallel_loop3A_98, %parallel_loop3A_99 : f32
          %parallel_loop3A_101 = vector.broadcast %parallel_loop3A_100 : f32 to vector<16xf32>
          %parallel_loop3A_102 = math.exp %parallel_loop3A_101 : vector<16xf32>
          %parallel_loop3A_103 = arith.index_cast %parallel_loop3A_85 : i32 to index
          %parallel_loop3A_104 = arith.constant 0 : index
          %parallel_loop3A_105 = tpu.vector_load %arg15[%parallel_loop3A_103, %parallel_loop3A_104] {strides = array<i32>} : memref<80x128xf32, #tpu.memory_space<vmem>>, vector<16xf32>,
          %parallel_loop3A_106 = arith.mulf %parallel_loop3A_105, %parallel_loop3A_102 : vector<16xf32>
          %parallel_loop3A_107 = arith.index_cast %parallel_loop3A_85 : i32 to index
          %parallel_loop3A_108 = arith.constant 0 : index
          %parallel_loop3A_109 = tpu.vector_load %arg15[%parallel_loop3A_107, %parallel_loop3A_108] {strides = array<i32>} : memref<80x128xf32, #tpu.memory_space<vmem>>, vector<16xf32>,
          tpu.vector_store %arg15[%parallel_loop3A_107, %parallel_loop3A_108], %parallel_loop3A_106 {strides = array<i32>} : memref<80x128xf32, #tpu.memory_space<vmem>>, vector<16xf32>,
          %parallel_loop3A_110 = arith.constant 0 : i32
          %parallel_loop3A_111 = vector.broadcast %parallel_loop3A_110 : i32 to vector<16xi32>
          %parallel_loop3A_112 = arith.cmpi eq, %iota3A, %parallel_loop3A_111 : vector<16xi32>
          %parallel_loop3A_113 = arith.select %parallel_loop3A_112, %parallel_loop3A_102, %parallel_loop3A_87 : vector<16xi1>, vector<16xf32>
          %parallel_loop3A_114 = arith.index_cast %parallel_loop3A_85 : i32 to index
          %parallel_loop3A_115 = arith.constant 16 : index
          %parallel_loop3A_116 = tpu.vector_load %arg13[%parallel_loop3A_114, %parallel_loop3A_115] {strides = array<i32>} : memref<80x128xf32, #tpu.memory_space<vmem>>, vector<16xf32>,
          %parallel_loop3A_117 = arith.index_cast %parallel_loop3A_85 : i32 to index
          %parallel_loop3A_118 = arith.constant 16 : index
          %parallel_loop3A_119 = tpu.vector_load %arg14[%parallel_loop3A_117, %parallel_loop3A_118] {strides = array<i32>} : memref<80x128xf32, #tpu.memory_space<vmem>>, vector<16xf32>,
          %parallel_loop3A_120 = arith.mulf %parallel_loop3A_116, %parallel_loop3A_119 : vector<16xf32>
          %parallel_loop3A_121 = arith.constant true
          %parallel_loop3A_122 = vector.broadcast %parallel_loop3A_121 : i1 to vector<16xi1>
          %parallel_loop3A_123 = tpu.scan <sum>, %parallel_loop3A_120 masked %parallel_loop3A_122 : vector<16xf32>, vector<16xi1> -> vector<16xf32>
          %parallel_loop3A_124 = vector.extract %parallel_loop3A_123[15] : f32 from vector<16xf32>
          %parallel_loop3A_125 = arith.constant 2.500000e-01 : f32
          %parallel_loop3A_126 = arith.mulf %parallel_loop3A_124, %parallel_loop3A_125 : f32
          %parallel_loop3A_127 = vector.broadcast %parallel_loop3A_126 : f32 to vector<16xf32>
          %parallel_loop3A_128 = math.exp %parallel_loop3A_127 : vector<16xf32>
          %parallel_loop3A_129 = arith.index_cast %parallel_loop3A_85 : i32 to index
          %parallel_loop3A_130 = arith.constant 16 : index
          %parallel_loop3A_131 = tpu.vector_load %arg15[%parallel_loop3A_129, %parallel_loop3A_130] {strides = array<i32>} : memref<80x128xf32, #tpu.memory_space<vmem>>, vector<16xf32>,
          %parallel_loop3A_132 = arith.mulf %parallel_loop3A_131, %parallel_loop3A_128 : vector<16xf32>
          %parallel_loop3A_133 = arith.index_cast %parallel_loop3A_85 : i32 to index
          %parallel_loop3A_134 = arith.constant 16 : index
          %parallel_loop3A_135 = tpu.vector_load %arg15[%parallel_loop3A_133, %parallel_loop3A_134] {strides = array<i32>} : memref<80x128xf32, #tpu.memory_space<vmem>>, vector<16xf32>,
          tpu.vector_store %arg15[%parallel_loop3A_133, %parallel_loop3A_134], %parallel_loop3A_132 {strides = array<i32>} : memref<80x128xf32, #tpu.memory_space<vmem>>, vector<16xf32>,
          %parallel_loop3A_136 = arith.constant 1 : i32
          %parallel_loop3A_137 = vector.broadcast %parallel_loop3A_136 : i32 to vector<16xi32>
          %parallel_loop3A_138 = arith.cmpi eq, %iota3A, %parallel_loop3A_137 : vector<16xi32>
          %parallel_loop3A_139 = arith.select %parallel_loop3A_138, %parallel_loop3A_128, %parallel_loop3A_113 : vector<16xi1>, vector<16xf32>
          %parallel_loop3A_140 = arith.index_cast %parallel_loop3A_85 : i32 to index
          %parallel_loop3A_141 = arith.constant 32 : index
          %parallel_loop3A_142 = tpu.vector_load %arg13[%parallel_loop3A_140, %parallel_loop3A_141] {strides = array<i32>} : memref<80x128xf32, #tpu.memory_space<vmem>>, vector<16xf32>,
          %parallel_loop3A_143 = arith.index_cast %parallel_loop3A_85 : i32 to index
          %parallel_loop3A_144 = arith.constant 32 : index
          %parallel_loop3A_145 = tpu.vector_load %arg14[%parallel_loop3A_143, %parallel_loop3A_144] {strides = array<i32>} : memref<80x128xf32, #tpu.memory_space<vmem>>, vector<16xf32>,
          %parallel_loop3A_146 = arith.mulf %parallel_loop3A_142, %parallel_loop3A_145 : vector<16xf32>
          %parallel_loop3A_147 = arith.constant true
          %parallel_loop3A_148 = vector.broadcast %parallel_loop3A_147 : i1 to vector<16xi1>
          %parallel_loop3A_149 = tpu.scan <sum>, %parallel_loop3A_146 masked %parallel_loop3A_148 : vector<16xf32>, vector<16xi1> -> vector<16xf32>
          %parallel_loop3A_150 = vector.extract %parallel_loop3A_149[15] : f32 from vector<16xf32>
          %parallel_loop3A_151 = arith.constant 2.500000e-01 : f32
          %parallel_loop3A_152 = arith.mulf %parallel_loop3A_150, %parallel_loop3A_151 : f32
          %parallel_loop3A_153 = vector.broadcast %parallel_loop3A_152 : f32 to vector<16xf32>
          %parallel_loop3A_154 = math.exp %parallel_loop3A_153 : vector<16xf32>
          %parallel_loop3A_155 = arith.index_cast %parallel_loop3A_85 : i32 to index
          %parallel_loop3A_156 = arith.constant 32 : index
          %parallel_loop3A_157 = tpu.vector_load %arg15[%parallel_loop3A_155, %parallel_loop3A_156] {strides = array<i32>} : memref<80x128xf32, #tpu.memory_space<vmem>>, vector<16xf32>,
          %parallel_loop3A_158 = arith.mulf %parallel_loop3A_157, %parallel_loop3A_154 : vector<16xf32>
          %parallel_loop3A_159 = arith.index_cast %parallel_loop3A_85 : i32 to index
          %parallel_loop3A_160 = arith.constant 32 : index
          %parallel_loop3A_161 = tpu.vector_load %arg15[%parallel_loop3A_159, %parallel_loop3A_160] {strides = array<i32>} : memref<80x128xf32, #tpu.memory_space<vmem>>, vector<16xf32>,
          tpu.vector_store %arg15[%parallel_loop3A_159, %parallel_loop3A_160], %parallel_loop3A_158 {strides = array<i32>} : memref<80x128xf32, #tpu.memory_space<vmem>>, vector<16xf32>,
          %parallel_loop3A_162 = arith.constant 2 : i32
          %parallel_loop3A_163 = vector.broadcast %parallel_loop3A_162 : i32 to vector<16xi32>
          %parallel_loop3A_164 = arith.cmpi eq, %iota3A, %parallel_loop3A_163 : vector<16xi32>
          %parallel_loop3A_165 = arith.select %parallel_loop3A_164, %parallel_loop3A_154, %parallel_loop3A_139 : vector<16xi1>, vector<16xf32>
          %parallel_loop3A_166 = arith.index_cast %parallel_loop3A_85 : i32 to index
          %parallel_loop3A_167 = arith.constant 48 : index
          %parallel_loop3A_168 = tpu.vector_load %arg13[%parallel_loop3A_166, %parallel_loop3A_167] {strides = array<i32>} : memref<80x128xf32, #tpu.memory_space<vmem>>, vector<16xf32>,
          %parallel_loop3A_169 = arith.index_cast %parallel_loop3A_85 : i32 to index
          %parallel_loop3A_170 = arith.constant 48 : index
          %parallel_loop3A_171 = tpu.vector_load %arg14[%parallel_loop3A_169, %parallel_loop3A_170] {strides = array<i32>} : memref<80x128xf32, #tpu.memory_space<vmem>>, vector<16xf32>,
          %parallel_loop3A_172 = arith.mulf %parallel_loop3A_168, %parallel_loop3A_171 : vector<16xf32>
          %parallel_loop3A_173 = arith.constant true
          %parallel_loop3A_174 = vector.broadcast %parallel_loop3A_173 : i1 to vector<16xi1>
          %parallel_loop3A_175 = tpu.scan <sum>, %parallel_loop3A_172 masked %parallel_loop3A_174 : vector<16xf32>, vector<16xi1> -> vector<16xf32>
          %parallel_loop3A_176 = vector.extract %parallel_loop3A_175[15] : f32 from vector<16xf32>
          %parallel_loop3A_177 = arith.constant 2.500000e-01 : f32
          %parallel_loop3A_178 = arith.mulf %parallel_loop3A_176, %parallel_loop3A_177 : f32
          %parallel_loop3A_179 = vector.broadcast %parallel_loop3A_178 : f32 to vector<16xf32>
          %parallel_loop3A_180 = math.exp %parallel_loop3A_179 : vector<16xf32>
          %parallel_loop3A_181 = arith.index_cast %parallel_loop3A_85 : i32 to index
          %parallel_loop3A_182 = arith.constant 48 : index
          %parallel_loop3A_183 = tpu.vector_load %arg15[%parallel_loop3A_181, %parallel_loop3A_182] {strides = array<i32>} : memref<80x128xf32, #tpu.memory_space<vmem>>, vector<16xf32>,
          %parallel_loop3A_184 = arith.mulf %parallel_loop3A_183, %parallel_loop3A_180 : vector<16xf32>
          %parallel_loop3A_185 = arith.index_cast %parallel_loop3A_85 : i32 to index
          %parallel_loop3A_186 = arith.constant 48 : index
          %parallel_loop3A_187 = tpu.vector_load %arg15[%parallel_loop3A_185, %parallel_loop3A_186] {strides = array<i32>} : memref<80x128xf32, #tpu.memory_space<vmem>>, vector<16xf32>,
          tpu.vector_store %arg15[%parallel_loop3A_185, %parallel_loop3A_186], %parallel_loop3A_184 {strides = array<i32>} : memref<80x128xf32, #tpu.memory_space<vmem>>, vector<16xf32>,
          %parallel_loop3A_188 = arith.constant 3 : i32
          %parallel_loop3A_189 = vector.broadcast %parallel_loop3A_188 : i32 to vector<16xi32>
          %parallel_loop3A_190 = arith.cmpi eq, %iota3A, %parallel_loop3A_189 : vector<16xi32>
          %parallel_loop3A_191 = arith.select %parallel_loop3A_190, %parallel_loop3A_180, %parallel_loop3A_165 : vector<16xi1>, vector<16xf32>
          %parallel_loop3A_192 = arith.index_cast %parallel_loop3A_85 : i32 to index
          %parallel_loop3A_193 = arith.constant 64 : index
          %parallel_loop3A_194 = tpu.vector_load %arg13[%parallel_loop3A_192, %parallel_loop3A_193] {strides = array<i32>} : memref<80x128xf32, #tpu.memory_space<vmem>>, vector<16xf32>,
          %parallel_loop3A_195 = arith.index_cast %parallel_loop3A_85 : i32 to index
          %parallel_loop3A_196 = arith.constant 64 : index
          %parallel_loop3A_197 = tpu.vector_load %arg14[%parallel_loop3A_195, %parallel_loop3A_196] {strides = array<i32>} : memref<80x128xf32, #tpu.memory_space<vmem>>, vector<16xf32>,
          %parallel_loop3A_198 = arith.mulf %parallel_loop3A_194, %parallel_loop3A_197 : vector<16xf32>
          %parallel_loop3A_199 = arith.constant true
          %parallel_loop3A_200 = vector.broadcast %parallel_loop3A_199 : i1 to vector<16xi1>
          %parallel_loop3A_201 = tpu.scan <sum>, %parallel_loop3A_198 masked %parallel_loop3A_200 : vector<16xf32>, vector<16xi1> -> vector<16xf32>
          %parallel_loop3A_202 = vector.extract %parallel_loop3A_201[15] : f32 from vector<16xf32>
          %parallel_loop3A_203 = arith.constant 2.500000e-01 : f32
          %parallel_loop3A_204 = arith.mulf %parallel_loop3A_202, %parallel_loop3A_203 : f32
          %parallel_loop3A_205 = vector.broadcast %parallel_loop3A_204 : f32 to vector<16xf32>
          %parallel_loop3A_206 = math.exp %parallel_loop3A_205 : vector<16xf32>
          %parallel_loop3A_207 = arith.index_cast %parallel_loop3A_85 : i32 to index
          %parallel_loop3A_208 = arith.constant 64 : index
          %parallel_loop3A_209 = tpu.vector_load %arg15[%parallel_loop3A_207, %parallel_loop3A_208] {strides = array<i32>} : memref<80x128xf32, #tpu.memory_space<vmem>>, vector<16xf32>,
          %parallel_loop3A_210 = arith.mulf %parallel_loop3A_209, %parallel_loop3A_206 : vector<16xf32>
          %parallel_loop3A_211 = arith.index_cast %parallel_loop3A_85 : i32 to index
          %parallel_loop3A_212 = arith.constant 64 : index
          %parallel_loop3A_213 = tpu.vector_load %arg15[%parallel_loop3A_211, %parallel_loop3A_212] {strides = array<i32>} : memref<80x128xf32, #tpu.memory_space<vmem>>, vector<16xf32>,
          tpu.vector_store %arg15[%parallel_loop3A_211, %parallel_loop3A_212], %parallel_loop3A_210 {strides = array<i32>} : memref<80x128xf32, #tpu.memory_space<vmem>>, vector<16xf32>,
          %parallel_loop3A_214 = arith.constant 4 : i32
          %parallel_loop3A_215 = vector.broadcast %parallel_loop3A_214 : i32 to vector<16xi32>
          %parallel_loop3A_216 = arith.cmpi eq, %iota3A, %parallel_loop3A_215 : vector<16xi32>
          %parallel_loop3A_217 = arith.select %parallel_loop3A_216, %parallel_loop3A_206, %parallel_loop3A_191 : vector<16xi1>, vector<16xf32>
          %parallel_loop3A_218 = arith.index_cast %parallel_loop3A_85 : i32 to index
          %parallel_loop3A_219 = arith.constant 80 : index
          %parallel_loop3A_220 = tpu.vector_load %arg13[%parallel_loop3A_218, %parallel_loop3A_219] {strides = array<i32>} : memref<80x128xf32, #tpu.memory_space<vmem>>, vector<16xf32>,
          %parallel_loop3A_221 = arith.index_cast %parallel_loop3A_85 : i32 to index
          %parallel_loop3A_222 = arith.constant 80 : index
          %parallel_loop3A_223 = tpu.vector_load %arg14[%parallel_loop3A_221, %parallel_loop3A_222] {strides = array<i32>} : memref<80x128xf32, #tpu.memory_space<vmem>>, vector<16xf32>,
          %parallel_loop3A_224 = arith.mulf %parallel_loop3A_220, %parallel_loop3A_223 : vector<16xf32>
          %parallel_loop3A_225 = arith.constant true
          %parallel_loop3A_226 = vector.broadcast %parallel_loop3A_225 : i1 to vector<16xi1>
          %parallel_loop3A_227 = tpu.scan <sum>, %parallel_loop3A_224 masked %parallel_loop3A_226 : vector<16xf32>, vector<16xi1> -> vector<16xf32>
          %parallel_loop3A_228 = vector.extract %parallel_loop3A_227[15] : f32 from vector<16xf32>
          %parallel_loop3A_229 = arith.constant 2.500000e-01 : f32
          %parallel_loop3A_230 = arith.mulf %parallel_loop3A_228, %parallel_loop3A_229 : f32
          %parallel_loop3A_231 = vector.broadcast %parallel_loop3A_230 : f32 to vector<16xf32>
          %parallel_loop3A_232 = math.exp %parallel_loop3A_231 : vector<16xf32>
          %parallel_loop3A_233 = arith.index_cast %parallel_loop3A_85 : i32 to index
          %parallel_loop3A_234 = arith.constant 80 : index
          %parallel_loop3A_235 = tpu.vector_load %arg15[%parallel_loop3A_233, %parallel_loop3A_234] {strides = array<i32>} : memref<80x128xf32, #tpu.memory_space<vmem>>, vector<16xf32>,
          %parallel_loop3A_236 = arith.mulf %parallel_loop3A_235, %parallel_loop3A_232 : vector<16xf32>
          %parallel_loop3A_237 = arith.index_cast %parallel_loop3A_85 : i32 to index
          %parallel_loop3A_238 = arith.constant 80 : index
          %parallel_loop3A_239 = tpu.vector_load %arg15[%parallel_loop3A_237, %parallel_loop3A_238] {strides = array<i32>} : memref<80x128xf32, #tpu.memory_space<vmem>>, vector<16xf32>,
          tpu.vector_store %arg15[%parallel_loop3A_237, %parallel_loop3A_238], %parallel_loop3A_236 {strides = array<i32>} : memref<80x128xf32, #tpu.memory_space<vmem>>, vector<16xf32>,
          %parallel_loop3A_240 = arith.constant 5 : i32
          %parallel_loop3A_241 = vector.broadcast %parallel_loop3A_240 : i32 to vector<16xi32>
          %parallel_loop3A_242 = arith.cmpi eq, %iota3A, %parallel_loop3A_241 : vector<16xi32>
          %parallel_loop3A_243 = arith.select %parallel_loop3A_242, %parallel_loop3A_232, %parallel_loop3A_217 : vector<16xi1>, vector<16xf32>
          %parallel_loop3A_244 = arith.index_cast %parallel_loop3A_85 : i32 to index
          %parallel_loop3A_245 = arith.constant 96 : index
          %parallel_loop3A_246 = tpu.vector_load %arg13[%parallel_loop3A_244, %parallel_loop3A_245] {strides = array<i32>} : memref<80x128xf32, #tpu.memory_space<vmem>>, vector<16xf32>,
          %parallel_loop3A_247 = arith.index_cast %parallel_loop3A_85 : i32 to index
          %parallel_loop3A_248 = arith.constant 96 : index
          %parallel_loop3A_249 = tpu.vector_load %arg14[%parallel_loop3A_247, %parallel_loop3A_248] {strides = array<i32>} : memref<80x128xf32, #tpu.memory_space<vmem>>, vector<16xf32>,
          %parallel_loop3A_250 = arith.mulf %parallel_loop3A_246, %parallel_loop3A_249 : vector<16xf32>
          %parallel_loop3A_251 = arith.constant true
          %parallel_loop3A_252 = vector.broadcast %parallel_loop3A_251 : i1 to vector<16xi1>
          %parallel_loop3A_253 = tpu.scan <sum>, %parallel_loop3A_250 masked %parallel_loop3A_252 : vector<16xf32>, vector<16xi1> -> vector<16xf32>
          %parallel_loop3A_254 = vector.extract %parallel_loop3A_253[15] : f32 from vector<16xf32>
          %parallel_loop3A_255 = arith.constant 2.500000e-01 : f32
          %parallel_loop3A_256 = arith.mulf %parallel_loop3A_254, %parallel_loop3A_255 : f32
          %parallel_loop3A_257 = vector.broadcast %parallel_loop3A_256 : f32 to vector<16xf32>
          %parallel_loop3A_258 = math.exp %parallel_loop3A_257 : vector<16xf32>
          %parallel_loop3A_259 = arith.index_cast %parallel_loop3A_85 : i32 to index
          %parallel_loop3A_260 = arith.constant 96 : index
          %parallel_loop3A_261 = tpu.vector_load %arg15[%parallel_loop3A_259, %parallel_loop3A_260] {strides = array<i32>} : memref<80x128xf32, #tpu.memory_space<vmem>>, vector<16xf32>,
          %parallel_loop3A_262 = arith.mulf %parallel_loop3A_261, %parallel_loop3A_258 : vector<16xf32>
          %parallel_loop3A_263 = arith.index_cast %parallel_loop3A_85 : i32 to index
          %parallel_loop3A_264 = arith.constant 96 : index
          %parallel_loop3A_265 = tpu.vector_load %arg15[%parallel_loop3A_263, %parallel_loop3A_264] {strides = array<i32>} : memref<80x128xf32, #tpu.memory_space<vmem>>, vector<16xf32>,
          tpu.vector_store %arg15[%parallel_loop3A_263, %parallel_loop3A_264], %parallel_loop3A_262 {strides = array<i32>} : memref<80x128xf32, #tpu.memory_space<vmem>>, vector<16xf32>,
          %parallel_loop3A_266 = arith.constant 6 : i32
          %parallel_loop3A_267 = vector.broadcast %parallel_loop3A_266 : i32 to vector<16xi32>
          %parallel_loop3A_268 = arith.cmpi eq, %iota3A, %parallel_loop3A_267 : vector<16xi32>
          %parallel_loop3A_269 = arith.select %parallel_loop3A_268, %parallel_loop3A_258, %parallel_loop3A_243 : vector<16xi1>, vector<16xf32>
          %parallel_loop3A_270 = arith.index_cast %parallel_loop3A_85 : i32 to index
          %parallel_loop3A_271 = arith.constant 112 : index
          %parallel_loop3A_272 = tpu.vector_load %arg13[%parallel_loop3A_270, %parallel_loop3A_271] {strides = array<i32>} : memref<80x128xf32, #tpu.memory_space<vmem>>, vector<16xf32>,
          %parallel_loop3A_273 = arith.index_cast %parallel_loop3A_85 : i32 to index
          %parallel_loop3A_274 = arith.constant 112 : index
          %parallel_loop3A_275 = tpu.vector_load %arg14[%parallel_loop3A_273, %parallel_loop3A_274] {strides = array<i32>} : memref<80x128xf32, #tpu.memory_space<vmem>>, vector<16xf32>,
          %parallel_loop3A_276 = arith.mulf %parallel_loop3A_272, %parallel_loop3A_275 : vector<16xf32>
          %parallel_loop3A_277 = arith.constant true
          %parallel_loop3A_278 = vector.broadcast %parallel_loop3A_277 : i1 to vector<16xi1>
          %parallel_loop3A_279 = tpu.scan <sum>, %parallel_loop3A_276 masked %parallel_loop3A_278 : vector<16xf32>, vector<16xi1> -> vector<16xf32>
          %parallel_loop3A_280 = vector.extract %parallel_loop3A_279[15] : f32 from vector<16xf32>
          %parallel_loop3A_281 = arith.constant 2.500000e-01 : f32
          %parallel_loop3A_282 = arith.mulf %parallel_loop3A_280, %parallel_loop3A_281 : f32
          %parallel_loop3A_283 = vector.broadcast %parallel_loop3A_282 : f32 to vector<16xf32>
          %parallel_loop3A_284 = math.exp %parallel_loop3A_283 : vector<16xf32>
          %parallel_loop3A_285 = arith.index_cast %parallel_loop3A_85 : i32 to index
          %parallel_loop3A_286 = arith.constant 112 : index
          %parallel_loop3A_287 = tpu.vector_load %arg15[%parallel_loop3A_285, %parallel_loop3A_286] {strides = array<i32>} : memref<80x128xf32, #tpu.memory_space<vmem>>, vector<16xf32>,
          %parallel_loop3A_288 = arith.mulf %parallel_loop3A_287, %parallel_loop3A_284 : vector<16xf32>
          %parallel_loop3A_289 = arith.index_cast %parallel_loop3A_85 : i32 to index
          %parallel_loop3A_290 = arith.constant 112 : index
          %parallel_loop3A_291 = tpu.vector_load %arg15[%parallel_loop3A_289, %parallel_loop3A_290] {strides = array<i32>} : memref<80x128xf32, #tpu.memory_space<vmem>>, vector<16xf32>,
          tpu.vector_store %arg15[%parallel_loop3A_289, %parallel_loop3A_290], %parallel_loop3A_288 {strides = array<i32>} : memref<80x128xf32, #tpu.memory_space<vmem>>, vector<16xf32>,
          %parallel_loop3A_292 = arith.constant 7 : i32
          %parallel_loop3A_293 = vector.broadcast %parallel_loop3A_292 : i32 to vector<16xi32>
          %parallel_loop3A_294 = arith.cmpi eq, %iota3A, %parallel_loop3A_293 : vector<16xi32>
          %parallel_loop3A_295 = arith.select %parallel_loop3A_294, %parallel_loop3A_284, %parallel_loop3A_269 : vector<16xi1>, vector<16xf32>
          %parallel_loop3A_296 = vector.broadcast %parallel_loop3A_85 : i32 to vector<16xi32>
          tpu.vector_store_idx %arg16[%parallel_loop3A_296, %iota3A], %parallel_loop3A_295 : memref<80x16xf32, #tpu.memory_space<vmem>>[vector<16xi32>, vector<16xi32>], vector<16xf32>,
        } {sc.loop_unroll_factor = 8 : i64, sc.parallel_access}
        %add3A_74 = arith.constant 1 : i32
        %add3A_75 = arith.addi %scan3A_54, %add3A_74 : i32
        %le3A = arith.constant 24 : i32
        %le3A_76 = arith.cmpi sle, %add3A_75, %le3A : i32
        %convert_element_type3A = arith.extui %le3A_76 : i1 to i32
        %cond3A = arith.constant 0 : i32
        %cond3A_77 = arith.cmpi ne, %convert_element_type3A, %cond3A : i32
        scf.if %cond3A_77 {
          %add3A_85 = arith.constant 1 : i32
          %add3A_86 = arith.addi %scan3A_54, %add3A_85 : i32
          %dma_start3A_87 = arith.constant 0 : i32
          %dma_start3A_88 = tpu.memref_slice %arg12[%add3A_86, %dma_start3A_87] : memref<25x80xi32, #tpu.memory_space<vmem>> -> memref<1x80xi32, #tpu.memory_space<vmem>>
          %dma_start3A_89 = tpu.memref_squeeze %dma_start3A_88 : memref<1x80xi32, #tpu.memory_space<vmem>> -> memref<80xi32, #tpu.memory_space<vmem>>
          %dma_start3A_90 = arith.constant 0 : i32
          %dma_start3A_91 = arith.constant 0 : i32
          %dma_start3A_92 = tpu.memref_slice %arg2[%dma_start3A_90, %dma_start3A_91] : memref<10000x128xf32, #tpu.memory_space<hbm>> -> memref<10000x128xf32, #tpu.memory_space<hbm>>
          tpu.enqueue_indirect_dma source(%dma_start3A_92 : memref<10000x128xf32, #tpu.memory_space<hbm>>) target(%arg13 : memref<80x128xf32, #tpu.memory_space<vmem>>) offsets(%dma_start3A_89 : memref<80xi32, #tpu.memory_space<vmem>>) semaphore(%arg19 : memref<!tpu.dma_semaphore, #tpu.memory_space<semaphore_mem>>)
          %add3A_93 = arith.constant 1 : i32
          %add3A_94 = arith.addi %scan3A_54, %add3A_93 : i32
          %dma_start3A_95 = arith.constant 0 : i32
          %dma_start3A_96 = tpu.memref_slice %arg11[%add3A_94, %dma_start3A_95] : memref<25x80xi32, #tpu.memory_space<vmem>> -> memref<1x80xi32, #tpu.memory_space<vmem>>
          %dma_start3A_97 = tpu.memref_squeeze %dma_start3A_96 : memref<1x80xi32, #tpu.memory_space<vmem>> -> memref<80xi32, #tpu.memory_space<vmem>>
          %dma_start3A_98 = arith.constant 0 : i32
          %dma_start3A_99 = arith.constant 0 : i32
          %dma_start3A_100 = tpu.memref_slice %arg3[%dma_start3A_98, %dma_start3A_99] : memref<10000x128xf32, #tpu.memory_space<hbm>> -> memref<10000x128xf32, #tpu.memory_space<hbm>>
          tpu.enqueue_indirect_dma source(%dma_start3A_100 : memref<10000x128xf32, #tpu.memory_space<hbm>>) target(%arg14 : memref<80x128xf32, #tpu.memory_space<vmem>>) offsets(%dma_start3A_97 : memref<80xi32, #tpu.memory_space<vmem>>) semaphore(%arg19 : memref<!tpu.dma_semaphore, #tpu.memory_space<semaphore_mem>>)
        } else {
        }
        "tpu.region"() ({
          %run_scoped3A = tpu.sem_alloc : memref<!tpu.dma_semaphore, #tpu.memory_space<semaphore_mem>>
          %dma_start3A_85 = arith.constant 0 : i32
          %dma_start3A_86 = tpu.memref_slice %arg12[%scan3A_54, %dma_start3A_85] : memref<25x80xi32, #tpu.memory_space<vmem>> -> memref<1x80xi32, #tpu.memory_space<vmem>>
          %dma_start3A_87 = tpu.memref_squeeze %dma_start3A_86 : memref<1x80xi32, #tpu.memory_space<vmem>> -> memref<80xi32, #tpu.memory_space<vmem>>
          %dma_start3A_88 = arith.constant 0 : i32
          %dma_start3A_89 = arith.constant 0 : i32
          %dma_start3A_90 = tpu.memref_slice %arg17[%dma_start3A_88, %dma_start3A_89] : memref<10240x128xf32, #tpu.memory_space<vmem_shared>> -> memref<10240x128xf32, #tpu.memory_space<vmem_shared>>
          tpu.enqueue_indirect_dma source(%arg15 : memref<80x128xf32, #tpu.memory_space<vmem>>) target(%dma_start3A_90 : memref<10240x128xf32, #tpu.memory_space<vmem_shared>>) offsets(%dma_start3A_87 : memref<80xi32, #tpu.memory_space<vmem>>) semaphore(%run_scoped3A : memref<!tpu.dma_semaphore, #tpu.memory_space<semaphore_mem>>) {add = true}
          %dma_wait3A_91 = arith.constant 0 : i32
          %dma_wait3A_92 = tpu.memref_slice %arg12[%scan3A_54, %dma_wait3A_91] : memref<25x80xi32, #tpu.memory_space<vmem>> -> memref<1x80xi32, #tpu.memory_space<vmem>>
          %dma_wait3A_93 = tpu.memref_squeeze %dma_wait3A_92 : memref<1x80xi32, #tpu.memory_space<vmem>> -> memref<80xi32, #tpu.memory_space<vmem>>
          %dma_wait3A_94 = arith.constant 0 : i32
          %dma_wait3A_95 = arith.constant 0 : i32
          %dma_wait3A_96 = tpu.memref_slice %arg17[%dma_wait3A_94, %dma_wait3A_95] : memref<10240x128xf32, #tpu.memory_space<vmem_shared>> -> memref<10240x128xf32, #tpu.memory_space<vmem_shared>>
          tpu.wait_indirect_dma semaphore(%run_scoped3A : memref<!tpu.dma_semaphore, #tpu.memory_space<semaphore_mem>>) src(%arg15 : memref<80x128xf32, #tpu.memory_space<vmem>>) dst(%dma_wait3A_96 : memref<10240x128xf32, #tpu.memory_space<vmem_shared>>)
          tpu.yield
        }) : () -> ()
        "tpu.region"() ({
          %run_scoped3A = tpu.sem_alloc : memref<!tpu.dma_semaphore, #tpu.memory_space<semaphore_mem>>
          %dma_start3A_85 = arith.constant 0 : i32
          %dma_start3A_86 = tpu.memref_slice %arg12[%scan3A_54, %dma_start3A_85] : memref<25x80xi32, #tpu.memory_space<vmem>> -> memref<1x80xi32, #tpu.memory_space<vmem>>
          %dma_start3A_87 = tpu.memref_squeeze %dma_start3A_86 : memref<1x80xi32, #tpu.memory_space<vmem>> -> memref<80xi32, #tpu.memory_space<vmem>>
          %dma_start3A_88 = arith.constant 0 : i32
          %dma_start3A_89 = arith.constant 0 : i32
          %dma_start3A_90 = tpu.memref_slice %arg18[%dma_start3A_88, %dma_start3A_89] : memref<10240x16xf32, #tpu.memory_space<vmem_shared>> -> memref<10240x16xf32, #tpu.memory_space<vmem_shared>>
          tpu.enqueue_indirect_dma source(%arg16 : memref<80x16xf32, #tpu.memory_space<vmem>>) target(%dma_start3A_90 : memref<10240x16xf32, #tpu.memory_space<vmem_shared>>) offsets(%dma_start3A_87 : memref<80xi32, #tpu.memory_space<vmem>>) semaphore(%run_scoped3A : memref<!tpu.dma_semaphore, #tpu.memory_space<semaphore_mem>>) {add = true}
          %dma_wait3A_91 = arith.constant 0 : i32
          %dma_wait3A_92 = tpu.memref_slice %arg12[%scan3A_54, %dma_wait3A_91] : memref<25x80xi32, #tpu.memory_space<vmem>> -> memref<1x80xi32, #tpu.memory_space<vmem>>
          %dma_wait3A_93 = tpu.memref_squeeze %dma_wait3A_92 : memref<1x80xi32, #tpu.memory_space<vmem>> -> memref<80xi32, #tpu.memory_space<vmem>>
          %dma_wait3A_94 = arith.constant 0 : i32
          %dma_wait3A_95 = arith.constant 0 : i32
          %dma_wait3A_96 = tpu.memref_slice %arg18[%dma_wait3A_94, %dma_wait3A_95] : memref<10240x16xf32, #tpu.memory_space<vmem_shared>> -> memref<10240x16xf32, #tpu.memory_space<vmem_shared>>
          tpu.wait_indirect_dma semaphore(%run_scoped3A : memref<!tpu.dma_semaphore, #tpu.memory_space<semaphore_mem>>) src(%arg16 : memref<80x16xf32, #tpu.memory_space<vmem>>) dst(%dma_wait3A_96 : memref<10240x16xf32, #tpu.memory_space<vmem_shared>>)
          tpu.yield
        }) : () -> ()
        %add3A_78 = arith.constant 1 : i32
        %add3A_79 = arith.addi %scan3A_54, %add3A_78 : i32
        %le3A_80 = arith.constant 24 : i32
        %le3A_81 = arith.cmpi sle, %add3A_79, %le3A_80 : i32
        %convert_element_type3A_82 = arith.extui %le3A_81 : i1 to i32
        %cond3A_83 = arith.constant 0 : i32
        %cond3A_84 = arith.cmpi ne, %convert_element_type3A_82, %cond3A_83 : i32
        scf.if %cond3A_84 {
          %add3A_85 = arith.constant 1 : i32
          %add3A_86 = arith.addi %scan3A_54, %add3A_85 : i32
          %dma_start3A_87 = arith.constant 0 : i32
          %dma_start3A_88 = tpu.memref_slice %arg11[%add3A_86, %dma_start3A_87] : memref<25x80xi32, #tpu.memory_space<vmem>> -> memref<1x80xi32, #tpu.memory_space<vmem>>
          %dma_start3A_89 = tpu.memref_squeeze %dma_start3A_88 : memref<1x80xi32, #tpu.memory_space<vmem>> -> memref<80xi32, #tpu.memory_space<vmem>>
          %dma_start3A_90 = arith.constant 0 : i32
          %dma_start3A_91 = arith.constant 0 : i32
          %dma_start3A_92 = tpu.memref_slice %arg4[%dma_start3A_90, %dma_start3A_91] : memref<10000x128xf32, #tpu.memory_space<hbm>> -> memref<10000x128xf32, #tpu.memory_space<hbm>>
          tpu.enqueue_indirect_dma source(%dma_start3A_92 : memref<10000x128xf32, #tpu.memory_space<hbm>>) target(%arg15 : memref<80x128xf32, #tpu.memory_space<vmem>>) offsets(%dma_start3A_89 : memref<80xi32, #tpu.memory_space<vmem>>) semaphore(%arg19 : memref<!tpu.dma_semaphore, #tpu.memory_space<semaphore_mem>>)
        } else {
        }
      }
      %scan3A_53 = arith.constant 25 : i32
    }
    %scan3A_13 = arith.constant 5 : i32
    %barrier3A_14 = arith.constant 0 : index
    tpu.barrier barrier_id(%barrier3A_14)
    %mul3A_15 = arith.constant 640 : i32
    %mul3A_16 = arith.muli %arg1, %mul3A_15 : i32
    %mul3A_17 = arith.constant 640 : i32
    %mul3A_18 = arith.muli %arg1, %mul3A_17 : i32
    "tpu.region"() ({
      %run_scoped3A = tpu.sem_alloc : memref<!tpu.dma_semaphore, #tpu.memory_space<semaphore_mem>>
      %dma_start3A = arith.constant 0 : i32
      %dma_start3A_23 = tpu.memref_slice %arg9[%arg0, %mul3A_18, %dma_start3A] : memref<2x10240x128xf32, #tpu.memory_space<hbm>> -> memref<1x640x128xf32, #tpu.memory_space<hbm>>
      %dma_start3A_24 = tpu.memref_squeeze %dma_start3A_23 : memref<1x640x128xf32, #tpu.memory_space<hbm>> -> memref<640x128xf32, #tpu.memory_space<hbm>>
      %dma_start3A_25 = arith.constant 0 : i32
      %dma_start3A_26 = tpu.memref_slice %arg17[%mul3A_16, %dma_start3A_25] : memref<10240x128xf32, #tpu.memory_space<vmem_shared>> -> memref<640x128xf32, #tpu.memory_space<vmem_shared>>
      tpu.enqueue_dma source(%dma_start3A_26 : memref<640x128xf32, #tpu.memory_space<vmem_shared>>) target(%dma_start3A_24 : memref<640x128xf32, #tpu.memory_space<hbm>>) target_semaphore(%run_scoped3A : memref<!tpu.dma_semaphore, #tpu.memory_space<semaphore_mem>>)
      %dma_wait3A = arith.constant 0 : i32
      %dma_wait3A_27 = tpu.memref_slice %arg9[%arg0, %mul3A_18, %dma_wait3A] : memref<2x10240x128xf32, #tpu.memory_space<hbm>> -> memref<1x640x128xf32, #tpu.memory_space<hbm>>
      %dma_wait3A_28 = tpu.memref_squeeze %dma_wait3A_27 : memref<1x640x128xf32, #tpu.memory_space<hbm>> -> memref<640x128xf32, #tpu.memory_space<hbm>>
      %dma_wait3A_29 = arith.constant 0 : i32
      %dma_wait3A_30 = tpu.memref_slice %arg17[%mul3A_16, %dma_wait3A_29] : memref<10240x128xf32, #tpu.memory_space<vmem_shared>> -> memref<640x128xf32, #tpu.memory_space<vmem_shared>>
      tpu.wait_dma2 semaphore(%run_scoped3A : memref<!tpu.dma_semaphore, #tpu.memory_space<semaphore_mem>>) src(%dma_wait3A_30 : memref<640x128xf32, #tpu.memory_space<vmem_shared>>) dst(%dma_wait3A_28 : memref<640x128xf32, #tpu.memory_space<hbm>>)
      tpu.yield
    }) : () -> ()
    %mul3A_19 = arith.constant 640 : i32
    %mul3A_20 = arith.muli %arg1, %mul3A_19 : i32
    %mul3A_21 = arith.constant 640 : i32
    %mul3A_22 = arith.muli %arg1, %mul3A_21 : i32
    "tpu.region"() ({
      %run_scoped3A = tpu.sem_alloc : memref<!tpu.dma_semaphore, #tpu.memory_space<semaphore_mem>>
      %dma_start3A = arith.constant 0 : i32
      %dma_start3A_23 = tpu.memref_slice %arg10[%arg0, %mul3A_22, %dma_start3A] : memref<2x10240x16xf32, #tpu.memory_space<hbm>> -> memref<1x640x16xf32, #tpu.memory_space<hbm>>
      %dma_start3A_24 = tpu.memref_squeeze %dma_start3A_23 : memref<1x640x16xf32, #tpu.memory_space<hbm>> -> memref<640x16xf32, #tpu.memory_space<hbm>>
      %dma_start3A_25 = arith.constant 0 : i32
      %dma_start3A_26 = tpu.memref_slice %arg18[%mul3A_20, %dma_start3A_25] : memref<10240x16xf32, #tpu.memory_space<vmem_shared>> -> memref<640x16xf32, #tpu.memory_space<vmem_shared>>
      tpu.enqueue_dma source(%dma_start3A_26 : memref<640x16xf32, #tpu.memory_space<vmem_shared>>) target(%dma_start3A_24 : memref<640x16xf32, #tpu.memory_space<hbm>>) target_semaphore(%run_scoped3A : memref<!tpu.dma_semaphore, #tpu.memory_space<semaphore_mem>>)
      %dma_wait3A = arith.constant 0 : i32
      %dma_wait3A_27 = tpu.memref_slice %arg10[%arg0, %mul3A_22, %dma_wait3A] : memref<2x10240x16xf32, #tpu.memory_space<hbm>> -> memref<1x640x16xf32, #tpu.memory_space<hbm>>
      %dma_wait3A_28 = tpu.memref_squeeze %dma_wait3A_27 : memref<1x640x16xf32, #tpu.memory_space<hbm>> -> memref<640x16xf32, #tpu.memory_space<hbm>>
      %dma_wait3A_29 = arith.constant 0 : i32
      %dma_wait3A_30 = tpu.memref_slice %arg18[%mul3A_20, %dma_wait3A_29] : memref<10240x16xf32, #tpu.memory_space<vmem_shared>> -> memref<640x16xf32, #tpu.memory_space<vmem_shared>>
      tpu.wait_dma2 semaphore(%run_scoped3A : memref<!tpu.dma_semaphore, #tpu.memory_space<semaphore_mem>>) src(%dma_wait3A_30 : memref<640x16xf32, #tpu.memory_space<vmem_shared>>) dst(%dma_wait3A_28 : memref<640x16xf32, #tpu.memory_space<hbm>>)
      tpu.yield
    }) : () -> ()
    return
  }
}

#map = affine_map<(d0, d1) -> (0, 0)>
#map1 = affine_map<(d0, d1) -> (0, 0, 0)>
module attributes {stable_mosaic.version = 14 : i64} {
  func.func @_sc_edge_agg(%arg0: i32, %arg1: i32, %arg2: memref<320000x128xf32, #tpu.memory_space<hbm>>, %arg3: memref<32x125x80xi32, #tpu.memory_space<hbm>>, %arg4: memref<10240x128xf32, #tpu.memory_space<hbm>>, %arg5: memref<2x10240x128xf32, #tpu.memory_space<hbm>>, %arg6: memref<125x80xi32, #tpu.memory_space<vmem>>, %arg7: memref<80x128xf32, #tpu.memory_space<vmem>>, %arg8: memref<80x128xf32, #tpu.memory_space<vmem>>, %arg9: memref<10240x128xf32, #tpu.memory_space<vmem_shared>>, %arg10: memref<!tpu.dma_semaphore, #tpu.memory_space<semaphore_mem>>, %arg11: memref<!tpu.dma_semaphore, #tpu.memory_space<semaphore_mem>>) attributes {dimension_semantics = [#tpu.dimension_semantics<core_parallel>, #tpu.dimension_semantics<subcore_parallel>], iteration_bounds = array<i64: 2, 16>, scalar_prefetch = 0 : i64, scratch_operands = 6 : i64, tpu.core_type = #tpu.core_type<sc_vector_subcore>, window_params = [{transform_indices = #map}, {transform_indices = #map1}, {transform_indices = #map}, {transform_indices = #map1}]} {
    %mul3A = arith.constant 16 : i32
    %mul3A_0 = arith.muli %arg0, %mul3A : i32
    %add3A = arith.addi %mul3A_0, %arg1 : i32
    %mul3A_1 = arith.constant 640 : i32
    %mul3A_2 = arith.muli %arg1, %mul3A_1 : i32
    %mul3A_3 = arith.constant 640 : i32
    %mul3A_4 = arith.muli %arg1, %mul3A_3 : i32
    "tpu.region"() ({
      %run_scoped3A_31 = tpu.sem_alloc : memref<!tpu.dma_semaphore, #tpu.memory_space<semaphore_mem>>
      %dma_start3A_32 = arith.constant 0 : i32
      %dma_start3A_33 = tpu.memref_slice %arg9[%mul3A_4, %dma_start3A_32] : memref<10240x128xf32, #tpu.memory_space<vmem_shared>> -> memref<640x128xf32, #tpu.memory_space<vmem_shared>>
      %dma_start3A_34 = arith.constant 0 : i32
      %dma_start3A_35 = tpu.memref_slice %arg4[%mul3A_2, %dma_start3A_34] : memref<10240x128xf32, #tpu.memory_space<hbm>> -> memref<640x128xf32, #tpu.memory_space<hbm>>
      tpu.enqueue_dma source(%dma_start3A_35 : memref<640x128xf32, #tpu.memory_space<hbm>>) target(%dma_start3A_33 : memref<640x128xf32, #tpu.memory_space<vmem_shared>>) target_semaphore(%run_scoped3A_31 : memref<!tpu.dma_semaphore, #tpu.memory_space<semaphore_mem>>)
      %dma_wait3A_36 = arith.constant 0 : i32
      %dma_wait3A_37 = tpu.memref_slice %arg9[%mul3A_4, %dma_wait3A_36] : memref<10240x128xf32, #tpu.memory_space<vmem_shared>> -> memref<640x128xf32, #tpu.memory_space<vmem_shared>>
      %dma_wait3A_38 = arith.constant 0 : i32
      %dma_wait3A_39 = tpu.memref_slice %arg4[%mul3A_2, %dma_wait3A_38] : memref<10240x128xf32, #tpu.memory_space<hbm>> -> memref<640x128xf32, #tpu.memory_space<hbm>>
      tpu.wait_dma2 semaphore(%run_scoped3A_31 : memref<!tpu.dma_semaphore, #tpu.memory_space<semaphore_mem>>) src(%dma_wait3A_39 : memref<640x128xf32, #tpu.memory_space<hbm>>) dst(%dma_wait3A_37 : memref<640x128xf32, #tpu.memory_space<vmem_shared>>)
      tpu.yield
    }) : () -> ()
    "tpu.region"() ({
      %run_scoped3A_31 = tpu.sem_alloc : memref<!tpu.dma_semaphore, #tpu.memory_space<semaphore_mem>>
      %dma_start3A_32 = arith.constant 0 : i32
      %dma_start3A_33 = arith.constant 0 : i32
      %dma_start3A_34 = tpu.memref_slice %arg3[%add3A, %dma_start3A_32, %dma_start3A_33] : memref<32x125x80xi32, #tpu.memory_space<hbm>> -> memref<1x125x80xi32, #tpu.memory_space<hbm>>
      %dma_start3A_35 = tpu.memref_squeeze %dma_start3A_34 : memref<1x125x80xi32, #tpu.memory_space<hbm>> -> memref<125x80xi32, #tpu.memory_space<hbm>>
      %dma_start3A_36 = arith.constant 0 : i32
      %dma_start3A_37 = arith.constant 0 : i32
      %dma_start3A_38 = tpu.memref_slice %arg3[%add3A, %dma_start3A_36, %dma_start3A_37] : memref<32x125x80xi32, #tpu.memory_space<hbm>> -> memref<1x125x80xi32, #tpu.memory_space<hbm>>
      %dma_start3A_39 = tpu.memref_squeeze %dma_start3A_38 : memref<1x125x80xi32, #tpu.memory_space<hbm>> -> memref<125x80xi32, #tpu.memory_space<hbm>>
      tpu.enqueue_dma source(%dma_start3A_39 : memref<125x80xi32, #tpu.memory_space<hbm>>) target(%arg6 : memref<125x80xi32, #tpu.memory_space<vmem>>) target_semaphore(%run_scoped3A_31 : memref<!tpu.dma_semaphore, #tpu.memory_space<semaphore_mem>>)
      %dma_wait3A_40 = arith.constant 0 : i32
      %dma_wait3A_41 = arith.constant 0 : i32
      %dma_wait3A_42 = tpu.memref_slice %arg3[%add3A, %dma_wait3A_40, %dma_wait3A_41] : memref<32x125x80xi32, #tpu.memory_space<hbm>> -> memref<1x125x80xi32, #tpu.memory_space<hbm>>
      %dma_wait3A_43 = tpu.memref_squeeze %dma_wait3A_42 : memref<1x125x80xi32, #tpu.memory_space<hbm>> -> memref<125x80xi32, #tpu.memory_space<hbm>>
      %dma_wait3A_44 = arith.constant 0 : i32
      %dma_wait3A_45 = arith.constant 0 : i32
      %dma_wait3A_46 = tpu.memref_slice %arg3[%add3A, %dma_wait3A_44, %dma_wait3A_45] : memref<32x125x80xi32, #tpu.memory_space<hbm>> -> memref<1x125x80xi32, #tpu.memory_space<hbm>>
      %dma_wait3A_47 = tpu.memref_squeeze %dma_wait3A_46 : memref<1x125x80xi32, #tpu.memory_space<hbm>> -> memref<125x80xi32, #tpu.memory_space<hbm>>
      tpu.wait_dma2 semaphore(%run_scoped3A_31 : memref<!tpu.dma_semaphore, #tpu.memory_space<semaphore_mem>>) src(%dma_wait3A_47 : memref<125x80xi32, #tpu.memory_space<hbm>>) dst(%arg6 : memref<125x80xi32, #tpu.memory_space<vmem>>)
      tpu.yield
    }) : () -> ()
    %barrier3A = arith.constant 0 : index
    tpu.barrier barrier_id(%barrier3A)
    %mul3A_5 = arith.constant 10000 : i32
    %mul3A_6 = arith.muli %add3A, %mul3A_5 : i32
    %dma_start3A = arith.constant 0 : i32
    %dma_start3A_7 = tpu.memref_slice %arg2[%mul3A_6, %dma_start3A] : memref<320000x128xf32, #tpu.memory_space<hbm>> -> memref<80x128xf32, #tpu.memory_space<hbm>>
    %dma_start3A_8 = arith.constant 0 : i32
    %dma_start3A_9 = tpu.memref_slice %arg2[%mul3A_6, %dma_start3A_8] : memref<320000x128xf32, #tpu.memory_space<hbm>> -> memref<80x128xf32, #tpu.memory_space<hbm>>
    tpu.enqueue_dma source(%dma_start3A_9 : memref<80x128xf32, #tpu.memory_space<hbm>>) target(%arg7 : memref<80x128xf32, #tpu.memory_space<vmem>>) target_semaphore(%arg10 : memref<!tpu.dma_semaphore, #tpu.memory_space<semaphore_mem>>)
    %add3A_10 = arith.constant 80 : i32
    %add3A_11 = arith.addi %mul3A_6, %add3A_10 : i32
    %dma_start3A_12 = arith.constant 0 : i32
    %dma_start3A_13 = tpu.memref_slice %arg2[%add3A_11, %dma_start3A_12] : memref<320000x128xf32, #tpu.memory_space<hbm>> -> memref<80x128xf32, #tpu.memory_space<hbm>>
    %dma_start3A_14 = arith.constant 0 : i32
    %dma_start3A_15 = tpu.memref_slice %arg2[%add3A_11, %dma_start3A_14] : memref<320000x128xf32, #tpu.memory_space<hbm>> -> memref<80x128xf32, #tpu.memory_space<hbm>>
    tpu.enqueue_dma source(%dma_start3A_15 : memref<80x128xf32, #tpu.memory_space<hbm>>) target(%arg8 : memref<80x128xf32, #tpu.memory_space<vmem>>) target_semaphore(%arg11 : memref<!tpu.dma_semaphore, #tpu.memory_space<semaphore_mem>>)
    %scan3A = arith.constant 0 : i32
    %scan3A_16 = arith.constant 0 : i32
    %scan3A_17 = arith.constant 62 : i32
    %scan3A_18 = arith.addi %scan3A_16, %scan3A_17 : i32
    %scan3A_19 = arith.constant 1 : i32
    scf.for %scan3A_31 = %scan3A_16 to %scan3A_18 step %scan3A_19  : i32 {
      %mul3A_32 = arith.constant 2 : i32
      %mul3A_33 = arith.muli %scan3A_31, %mul3A_32 : i32
      %add3A_34 = arith.constant 0 : i32
      %add3A_35 = arith.addi %mul3A_33, %add3A_34 : i32
      %dma_wait3A_36 = arith.constant 0 : i32
      %dma_wait3A_37 = arith.constant 0 : i32
      %dma_wait3A_38 = tpu.memref_slice %arg2[%dma_wait3A_36, %dma_wait3A_37] : memref<320000x128xf32, #tpu.memory_space<hbm>> -> memref<80x128xf32, #tpu.memory_space<hbm>>
      %dma_wait3A_39 = arith.constant 0 : i32
      %dma_wait3A_40 = arith.constant 0 : i32
      %dma_wait3A_41 = tpu.memref_slice %arg2[%dma_wait3A_39, %dma_wait3A_40] : memref<320000x128xf32, #tpu.memory_space<hbm>> -> memref<80x128xf32, #tpu.memory_space<hbm>>
      tpu.wait_dma2 semaphore(%arg10 : memref<!tpu.dma_semaphore, #tpu.memory_space<semaphore_mem>>) src(%dma_wait3A_41 : memref<80x128xf32, #tpu.memory_space<hbm>>) dst(%arg7 : memref<80x128xf32, #tpu.memory_space<vmem>>)
      "tpu.region"() ({
        %run_scoped3A_63 = tpu.sem_alloc : memref<!tpu.dma_semaphore, #tpu.memory_space<semaphore_mem>>
        %dma_start3A_64 = arith.constant 0 : i32
        %dma_start3A_65 = tpu.memref_slice %arg6[%add3A_35, %dma_start3A_64] : memref<125x80xi32, #tpu.memory_space<vmem>> -> memref<1x80xi32, #tpu.memory_space<vmem>>
        %dma_start3A_66 = tpu.memref_squeeze %dma_start3A_65 : memref<1x80xi32, #tpu.memory_space<vmem>> -> memref<80xi32, #tpu.memory_space<vmem>>
        %dma_start3A_67 = arith.constant 0 : i32
        %dma_start3A_68 = arith.constant 0 : i32
        %dma_start3A_69 = tpu.memref_slice %arg9[%dma_start3A_67, %dma_start3A_68] : memref<10240x128xf32, #tpu.memory_space<vmem_shared>> -> memref<10240x128xf32, #tpu.memory_space<vmem_shared>>
        tpu.enqueue_indirect_dma source(%arg7 : memref<80x128xf32, #tpu.memory_space<vmem>>) target(%dma_start3A_69 : memref<10240x128xf32, #tpu.memory_space<vmem_shared>>) offsets(%dma_start3A_66 : memref<80xi32, #tpu.memory_space<vmem>>) semaphore(%run_scoped3A_63 : memref<!tpu.dma_semaphore, #tpu.memory_space<semaphore_mem>>) {add = true}
        %dma_wait3A_70 = arith.constant 0 : i32
        %dma_wait3A_71 = tpu.memref_slice %arg6[%add3A_35, %dma_wait3A_70] : memref<125x80xi32, #tpu.memory_space<vmem>> -> memref<1x80xi32, #tpu.memory_space<vmem>>
        %dma_wait3A_72 = tpu.memref_squeeze %dma_wait3A_71 : memref<1x80xi32, #tpu.memory_space<vmem>> -> memref<80xi32, #tpu.memory_space<vmem>>
        %dma_wait3A_73 = arith.constant 0 : i32
        %dma_wait3A_74 = arith.constant 0 : i32
        %dma_wait3A_75 = tpu.memref_slice %arg9[%dma_wait3A_73, %dma_wait3A_74] : memref<10240x128xf32, #tpu.memory_space<vmem_shared>> -> memref<10240x128xf32, #tpu.memory_space<vmem_shared>>
        tpu.wait_indirect_dma semaphore(%run_scoped3A_63 : memref<!tpu.dma_semaphore, #tpu.memory_space<semaphore_mem>>) src(%arg7 : memref<80x128xf32, #tpu.memory_space<vmem>>) dst(%dma_wait3A_75 : memref<10240x128xf32, #tpu.memory_space<vmem_shared>>)
        tpu.yield
      }) : () -> ()
      %add3A_42 = arith.constant 2 : i32
      %add3A_43 = arith.addi %add3A_35, %add3A_42 : i32
      %le3A = arith.constant 124 : i32
      %le3A_44 = arith.cmpi sle, %add3A_43, %le3A : i32
      %convert_element_type3A = arith.extui %le3A_44 : i1 to i32
      %cond3A = arith.constant 0 : i32
      %cond3A_45 = arith.cmpi ne, %convert_element_type3A, %cond3A : i32
      scf.if %cond3A_45 {
        %add3A_63 = arith.constant 2 : i32
        %add3A_64 = arith.addi %add3A_35, %add3A_63 : i32
        %mul3A_65 = arith.constant 80 : i32
        %mul3A_66 = arith.muli %add3A_64, %mul3A_65 : i32
        %add3A_67 = arith.addi %mul3A_6, %mul3A_66 : i32
        %dma_start3A_68 = arith.constant 0 : i32
        %dma_start3A_69 = tpu.memref_slice %arg2[%add3A_67, %dma_start3A_68] : memref<320000x128xf32, #tpu.memory_space<hbm>> -> memref<80x128xf32, #tpu.memory_space<hbm>>
        %dma_start3A_70 = arith.constant 0 : i32
        %dma_start3A_71 = tpu.memref_slice %arg2[%add3A_67, %dma_start3A_70] : memref<320000x128xf32, #tpu.memory_space<hbm>> -> memref<80x128xf32, #tpu.memory_space<hbm>>
        tpu.enqueue_dma source(%dma_start3A_71 : memref<80x128xf32, #tpu.memory_space<hbm>>) target(%arg7 : memref<80x128xf32, #tpu.memory_space<vmem>>) target_semaphore(%arg10 : memref<!tpu.dma_semaphore, #tpu.memory_space<semaphore_mem>>)
      } else {
      }
      %mul3A_46 = arith.constant 2 : i32
      %mul3A_47 = arith.muli %scan3A_31, %mul3A_46 : i32
      %add3A_48 = arith.constant 1 : i32
      %add3A_49 = arith.addi %mul3A_47, %add3A_48 : i32
      %dma_wait3A_50 = arith.constant 0 : i32
      %dma_wait3A_51 = arith.constant 0 : i32
      %dma_wait3A_52 = tpu.memref_slice %arg2[%dma_wait3A_50, %dma_wait3A_51] : memref<320000x128xf32, #tpu.memory_space<hbm>> -> memref<80x128xf32, #tpu.memory_space<hbm>>
      %dma_wait3A_53 = arith.constant 0 : i32
      %dma_wait3A_54 = arith.constant 0 : i32
      %dma_wait3A_55 = tpu.memref_slice %arg2[%dma_wait3A_53, %dma_wait3A_54] : memref<320000x128xf32, #tpu.memory_space<hbm>> -> memref<80x128xf32, #tpu.memory_space<hbm>>
      tpu.wait_dma2 semaphore(%arg11 : memref<!tpu.dma_semaphore, #tpu.memory_space<semaphore_mem>>) src(%dma_wait3A_55 : memref<80x128xf32, #tpu.memory_space<hbm>>) dst(%arg8 : memref<80x128xf32, #tpu.memory_space<vmem>>)
      "tpu.region"() ({
        %run_scoped3A_63 = tpu.sem_alloc : memref<!tpu.dma_semaphore, #tpu.memory_space<semaphore_mem>>
        %dma_start3A_64 = arith.constant 0 : i32
        %dma_start3A_65 = tpu.memref_slice %arg6[%add3A_49, %dma_start3A_64] : memref<125x80xi32, #tpu.memory_space<vmem>> -> memref<1x80xi32, #tpu.memory_space<vmem>>
        %dma_start3A_66 = tpu.memref_squeeze %dma_start3A_65 : memref<1x80xi32, #tpu.memory_space<vmem>> -> memref<80xi32, #tpu.memory_space<vmem>>
        %dma_start3A_67 = arith.constant 0 : i32
        %dma_start3A_68 = arith.constant 0 : i32
        %dma_start3A_69 = tpu.memref_slice %arg9[%dma_start3A_67, %dma_start3A_68] : memref<10240x128xf32, #tpu.memory_space<vmem_shared>> -> memref<10240x128xf32, #tpu.memory_space<vmem_shared>>
        tpu.enqueue_indirect_dma source(%arg8 : memref<80x128xf32, #tpu.memory_space<vmem>>) target(%dma_start3A_69 : memref<10240x128xf32, #tpu.memory_space<vmem_shared>>) offsets(%dma_start3A_66 : memref<80xi32, #tpu.memory_space<vmem>>) semaphore(%run_scoped3A_63 : memref<!tpu.dma_semaphore, #tpu.memory_space<semaphore_mem>>) {add = true}
        %dma_wait3A_70 = arith.constant 0 : i32
        %dma_wait3A_71 = tpu.memref_slice %arg6[%add3A_49, %dma_wait3A_70] : memref<125x80xi32, #tpu.memory_space<vmem>> -> memref<1x80xi32, #tpu.memory_space<vmem>>
        %dma_wait3A_72 = tpu.memref_squeeze %dma_wait3A_71 : memref<1x80xi32, #tpu.memory_space<vmem>> -> memref<80xi32, #tpu.memory_space<vmem>>
        %dma_wait3A_73 = arith.constant 0 : i32
        %dma_wait3A_74 = arith.constant 0 : i32
        %dma_wait3A_75 = tpu.memref_slice %arg9[%dma_wait3A_73, %dma_wait3A_74] : memref<10240x128xf32, #tpu.memory_space<vmem_shared>> -> memref<10240x128xf32, #tpu.memory_space<vmem_shared>>
        tpu.wait_indirect_dma semaphore(%run_scoped3A_63 : memref<!tpu.dma_semaphore, #tpu.memory_space<semaphore_mem>>) src(%arg8 : memref<80x128xf32, #tpu.memory_space<vmem>>) dst(%dma_wait3A_75 : memref<10240x128xf32, #tpu.memory_space<vmem_shared>>)
        tpu.yield
      }) : () -> ()
      %add3A_56 = arith.constant 2 : i32
      %add3A_57 = arith.addi %add3A_49, %add3A_56 : i32
      %le3A_58 = arith.constant 124 : i32
      %le3A_59 = arith.cmpi sle, %add3A_57, %le3A_58 : i32
      %convert_element_type3A_60 = arith.extui %le3A_59 : i1 to i32
      %cond3A_61 = arith.constant 0 : i32
      %cond3A_62 = arith.cmpi ne, %convert_element_type3A_60, %cond3A_61 : i32
      scf.if %cond3A_62 {
        %add3A_63 = arith.constant 2 : i32
        %add3A_64 = arith.addi %add3A_49, %add3A_63 : i32
        %mul3A_65 = arith.constant 80 : i32
        %mul3A_66 = arith.muli %add3A_64, %mul3A_65 : i32
        %add3A_67 = arith.addi %mul3A_6, %mul3A_66 : i32
        %dma_start3A_68 = arith.constant 0 : i32
        %dma_start3A_69 = tpu.memref_slice %arg2[%add3A_67, %dma_start3A_68] : memref<320000x128xf32, #tpu.memory_space<hbm>> -> memref<80x128xf32, #tpu.memory_space<hbm>>
        %dma_start3A_70 = arith.constant 0 : i32
        %dma_start3A_71 = tpu.memref_slice %arg2[%add3A_67, %dma_start3A_70] : memref<320000x128xf32, #tpu.memory_space<hbm>> -> memref<80x128xf32, #tpu.memory_space<hbm>>
        tpu.enqueue_dma source(%dma_start3A_71 : memref<80x128xf32, #tpu.memory_space<hbm>>) target(%arg8 : memref<80x128xf32, #tpu.memory_space<vmem>>) target_semaphore(%arg11 : memref<!tpu.dma_semaphore, #tpu.memory_space<semaphore_mem>>)
      } else {
      }
    }
    %scan3A_20 = arith.constant 62 : i32
    %dma_wait3A = arith.constant 0 : i32
    %dma_wait3A_21 = arith.constant 0 : i32
    %dma_wait3A_22 = tpu.memref_slice %arg2[%dma_wait3A, %dma_wait3A_21] : memref<320000x128xf32, #tpu.memory_space<hbm>> -> memref<80x128xf32, #tpu.memory_space<hbm>>
    %dma_wait3A_23 = arith.constant 0 : i32
    %dma_wait3A_24 = arith.constant 0 : i32
    %dma_wait3A_25 = tpu.memref_slice %arg2[%dma_wait3A_23, %dma_wait3A_24] : memref<320000x128xf32, #tpu.memory_space<hbm>> -> memref<80x128xf32, #tpu.memory_space<hbm>>
    tpu.wait_dma2 semaphore(%arg10 : memref<!tpu.dma_semaphore, #tpu.memory_space<semaphore_mem>>) src(%dma_wait3A_25 : memref<80x128xf32, #tpu.memory_space<hbm>>) dst(%arg7 : memref<80x128xf32, #tpu.memory_space<vmem>>)
    %run_scoped3A = arith.constant 124 : i32
    "tpu.region"() ({
      %run_scoped3A_31 = tpu.sem_alloc : memref<!tpu.dma_semaphore, #tpu.memory_space<semaphore_mem>>
      %dma_start3A_32 = arith.constant 0 : i32
      %dma_start3A_33 = tpu.memref_slice %arg6[%run_scoped3A, %dma_start3A_32] : memref<125x80xi32, #tpu.memory_space<vmem>> -> memref<1x80xi32, #tpu.memory_space<vmem>>
      %dma_start3A_34 = tpu.memref_squeeze %dma_start3A_33 : memref<1x80xi32, #tpu.memory_space<vmem>> -> memref<80xi32, #tpu.memory_space<vmem>>
      %dma_start3A_35 = arith.constant 0 : i32
      %dma_start3A_36 = arith.constant 0 : i32
      %dma_start3A_37 = tpu.memref_slice %arg9[%dma_start3A_35, %dma_start3A_36] : memref<10240x128xf32, #tpu.memory_space<vmem_shared>> -> memref<10240x128xf32, #tpu.memory_space<vmem_shared>>
      tpu.enqueue_indirect_dma source(%arg7 : memref<80x128xf32, #tpu.memory_space<vmem>>) target(%dma_start3A_37 : memref<10240x128xf32, #tpu.memory_space<vmem_shared>>) offsets(%dma_start3A_34 : memref<80xi32, #tpu.memory_space<vmem>>) semaphore(%run_scoped3A_31 : memref<!tpu.dma_semaphore, #tpu.memory_space<semaphore_mem>>) {add = true}
      %dma_wait3A_38 = arith.constant 0 : i32
      %dma_wait3A_39 = tpu.memref_slice %arg6[%run_scoped3A, %dma_wait3A_38] : memref<125x80xi32, #tpu.memory_space<vmem>> -> memref<1x80xi32, #tpu.memory_space<vmem>>
      %dma_wait3A_40 = tpu.memref_squeeze %dma_wait3A_39 : memref<1x80xi32, #tpu.memory_space<vmem>> -> memref<80xi32, #tpu.memory_space<vmem>>
      %dma_wait3A_41 = arith.constant 0 : i32
      %dma_wait3A_42 = arith.constant 0 : i32
      %dma_wait3A_43 = tpu.memref_slice %arg9[%dma_wait3A_41, %dma_wait3A_42] : memref<10240x128xf32, #tpu.memory_space<vmem_shared>> -> memref<10240x128xf32, #tpu.memory_space<vmem_shared>>
      tpu.wait_indirect_dma semaphore(%run_scoped3A_31 : memref<!tpu.dma_semaphore, #tpu.memory_space<semaphore_mem>>) src(%arg7 : memref<80x128xf32, #tpu.memory_space<vmem>>) dst(%dma_wait3A_43 : memref<10240x128xf32, #tpu.memory_space<vmem_shared>>)
      tpu.yield
    }) : () -> ()
    %barrier3A_26 = arith.constant 0 : index
    tpu.barrier barrier_id(%barrier3A_26)
    %mul3A_27 = arith.constant 640 : i32
    %mul3A_28 = arith.muli %arg1, %mul3A_27 : i32
    %mul3A_29 = arith.constant 640 : i32
    %mul3A_30 = arith.muli %arg1, %mul3A_29 : i32
    "tpu.region"() ({
      %run_scoped3A_31 = tpu.sem_alloc : memref<!tpu.dma_semaphore, #tpu.memory_space<semaphore_mem>>
      %dma_start3A_32 = arith.constant 0 : i32
      %dma_start3A_33 = tpu.memref_slice %arg5[%arg0, %mul3A_30, %dma_start3A_32] : memref<2x10240x128xf32, #tpu.memory_space<hbm>> -> memref<1x640x128xf32, #tpu.memory_space<hbm>>
      %dma_start3A_34 = tpu.memref_squeeze %dma_start3A_33 : memref<1x640x128xf32, #tpu.memory_space<hbm>> -> memref<640x128xf32, #tpu.memory_space<hbm>>
      %dma_start3A_35 = arith.constant 0 : i32
      %dma_start3A_36 = tpu.memref_slice %arg9[%mul3A_28, %dma_start3A_35] : memref<10240x128xf32, #tpu.memory_space<vmem_shared>> -> memref<640x128xf32, #tpu.memory_space<vmem_shared>>
      tpu.enqueue_dma source(%dma_start3A_36 : memref<640x128xf32, #tpu.memory_space<vmem_shared>>) target(%dma_start3A_34 : memref<640x128xf32, #tpu.memory_space<hbm>>) target_semaphore(%run_scoped3A_31 : memref<!tpu.dma_semaphore, #tpu.memory_space<semaphore_mem>>)
      %dma_wait3A_37 = arith.constant 0 : i32
      %dma_wait3A_38 = tpu.memref_slice %arg5[%arg0, %mul3A_30, %dma_wait3A_37] : memref<2x10240x128xf32, #tpu.memory_space<hbm>> -> memref<1x640x128xf32, #tpu.memory_space<hbm>>
      %dma_wait3A_39 = tpu.memref_squeeze %dma_wait3A_38 : memref<1x640x128xf32, #tpu.memory_space<hbm>> -> memref<640x128xf32, #tpu.memory_space<hbm>>
      %dma_wait3A_40 = arith.constant 0 : i32
      %dma_wait3A_41 = tpu.memref_slice %arg9[%mul3A_28, %dma_wait3A_40] : memref<10240x128xf32, #tpu.memory_space<vmem_shared>> -> memref<640x128xf32, #tpu.memory_space<vmem_shared>>
      tpu.wait_dma2 semaphore(%run_scoped3A_31 : memref<!tpu.dma_semaphore, #tpu.memory_space<semaphore_mem>>) src(%dma_wait3A_41 : memref<640x128xf32, #tpu.memory_space<vmem_shared>>) dst(%dma_wait3A_39 : memref<640x128xf32, #tpu.memory_space<hbm>>)
      tpu.yield
    }) : () -> ()
    return
  }
}

module attributes {stable_mosaic.version = 14 : i64} {
  func.func @_qkv_body(%arg0: i32, %arg1: memref<1000x128xf32, #tpu.memory_space<vmem>>, %arg2: memref<128x384xf32, #tpu.memory_space<vmem>>, %arg3: memref<1x384xf32, #tpu.memory_space<vmem>>, %arg4: memref<1000x128xf32, #tpu.memory_space<vmem>>, %arg5: memref<1000x128xf32, #tpu.memory_space<vmem>>, %arg6: memref<1000x128xf32, #tpu.memory_space<vmem>>) attributes {dimension_semantics = [#tpu.dimension_semantics<arbitrary>], iteration_bounds = array<i64: 10>, scalar_prefetch = 0 : i64, scratch_operands = 0 : i64, tpu.core_type = #tpu.core_type<tc>, window_params = [{transform_indices = @transform_0, window_bounds = array<i64: 1000, 128>}, {pipeline_mode = #tpu.pipeline_mode<synchronous>, transform_indices = @transform_1, window_bounds = array<i64: 128, 384>}, {pipeline_mode = #tpu.pipeline_mode<synchronous>, transform_indices = @transform_2, window_bounds = array<i64: 1, 384>}, {transform_indices = @transform_3, window_bounds = array<i64: 1000, 128>}, {transform_indices = @transform_4, window_bounds = array<i64: 1000, 128>}, {transform_indices = @transform_5, window_bounds = array<i64: 1000, 128>}]} {
    %get3A = arith.constant 0 : index
    %get3A_0 = arith.constant 0 : index
    %get3A_1 = vector.load %arg1[%get3A, %get3A_0] : memref<1000x128xf32, #tpu.memory_space<vmem>>, vector<1000x128xf32>
    %get3A_2 = arith.constant 0 : index
    %get3A_3 = arith.constant 0 : index
    %get3A_4 = vector.load %arg2[%get3A_2, %get3A_3] : memref<128x384xf32, #tpu.memory_space<vmem>>, vector<128x384xf32>
    %dot_general3A = arith.constant dense<0.000000e+00> : vector<1000x384xf32>
    %dot_general3A_5 = tpu.matmul %get3A_1, %get3A_4, %dot_general3A {dimension_numbers = #tpu.dot_dimension_numbers<[1], [0], [0], [1], [0, 0, 1, 1], [], []>, transpose_lhs_hint = false} : vector<1000x128xf32>, vector<128x384xf32>, vector<1000x384xf32> -> vector<1000x384xf32>
    %get3A_6 = arith.constant 0 : index
    %get3A_7 = arith.constant 0 : index
    %get3A_8 = vector.load %arg3[%get3A_6, %get3A_7] : memref<1x384xf32, #tpu.memory_space<vmem>>, vector<1x384xf32>
    %add3A = vector.broadcast %get3A_8 : vector<1x384xf32> to vector<1000x384xf32>
    %add3A_9 = arith.addf %dot_general3A_5, %add3A : vector<1000x384xf32>
    %slice3A = vector.extract_strided_slice %add3A_9 {offsets = [0, 0], sizes = [1000, 128], strides = [1, 1]} : vector<1000x384xf32> to vector<1000x128xf32>
    %swap3A = arith.constant 0 : index
    %swap3A_10 = arith.constant 0 : index
    %swap3A_11 = vector.load %arg4[%swap3A, %swap3A_10] : memref<1000x128xf32, #tpu.memory_space<vmem>>, vector<1000x128xf32>
    tpu.vector_store %arg4[%swap3A, %swap3A_10], %slice3A {strides = array<i32>} : memref<1000x128xf32, #tpu.memory_space<vmem>>, vector<1000x128xf32>,
    %slice3A_12 = vector.extract_strided_slice %add3A_9 {offsets = [0, 128], sizes = [1000, 128], strides = [1, 1]} : vector<1000x384xf32> to vector<1000x128xf32>
    %swap3A_13 = arith.constant 0 : index
    %swap3A_14 = arith.constant 0 : index
    %swap3A_15 = vector.load %arg5[%swap3A_13, %swap3A_14] : memref<1000x128xf32, #tpu.memory_space<vmem>>, vector<1000x128xf32>
    tpu.vector_store %arg5[%swap3A_13, %swap3A_14], %slice3A_12 {strides = array<i32>} : memref<1000x128xf32, #tpu.memory_space<vmem>>, vector<1000x128xf32>,
    %slice3A_16 = vector.extract_strided_slice %add3A_9 {offsets = [0, 256], sizes = [1000, 128], strides = [1, 1]} : vector<1000x384xf32> to vector<1000x128xf32>
    %swap3A_17 = arith.constant 0 : index
    %swap3A_18 = arith.constant 0 : index
    %swap3A_19 = vector.load %arg6[%swap3A_17, %swap3A_18] : memref<1000x128xf32, #tpu.memory_space<vmem>>, vector<1000x128xf32>
    tpu.vector_store %arg6[%swap3A_17, %swap3A_18], %slice3A_16 {strides = array<i32>} : memref<1000x128xf32, #tpu.memory_space<vmem>>, vector<1000x128xf32>,
    return
  }
  func.func @transform_0(%arg0: i32) -> (i32, i32) {
    %c0_i32 = arith.constant 0 : i32
    %c0_i32_0 = arith.constant 0 : i32
    return %arg0, %c0_i32 : i32, i32
  }
  func.func @transform_1(%arg0: i32) -> (i32, i32) {
    %c0_i32 = arith.constant 0 : i32
    %c0_i32_0 = arith.constant 0 : i32
    %c0_i32_1 = arith.constant 0 : i32
    return %c0_i32, %c0_i32_0 : i32, i32
  }
  func.func @transform_2(%arg0: i32) -> (i32, i32) {
    %c0_i32 = arith.constant 0 : i32
    %c0_i32_0 = arith.constant 0 : i32
    %c0_i32_1 = arith.constant 0 : i32
    return %c0_i32, %c0_i32_0 : i32, i32
  }
  func.func @transform_3(%arg0: i32) -> (i32, i32) {
    %c0_i32 = arith.constant 0 : i32
    %c0_i32_0 = arith.constant 0 : i32
    return %arg0, %c0_i32 : i32, i32
  }
  func.func @transform_4(%arg0: i32) -> (i32, i32) {
    %c0_i32 = arith.constant 0 : i32
    %c0_i32_0 = arith.constant 0 : i32
    return %arg0, %c0_i32 : i32, i32
  }
  func.func @transform_5(%arg0: i32) -> (i32, i32) {
    %c0_i32 = arith.constant 0 : i32
    %c0_i32_0 = arith.constant 0 : i32
    return %arg0, %c0_i32 : i32, i32
  }
}

module attributes {stable_mosaic.version = 14 : i64} {
  func.func @_edge_mlp_body(%arg0: i32, %arg1: memref<2000x128xf32, #tpu.memory_space<vmem>>, %arg2: memref<128x128xf32, #tpu.memory_space<vmem>>, %arg3: memref<1x128xf32, #tpu.memory_space<vmem>>, %arg4: memref<2000x128xf32, #tpu.memory_space<vmem>>) attributes {dimension_semantics = [#tpu.dimension_semantics<arbitrary>], iteration_bounds = array<i64: 160>, scalar_prefetch = 0 : i64, scratch_operands = 0 : i64, tpu.core_type = #tpu.core_type<tc>, window_params = [{transform_indices = @transform_0, window_bounds = array<i64: 2000, 128>}, {pipeline_mode = #tpu.pipeline_mode<synchronous>, transform_indices = @transform_1, window_bounds = array<i64: 128, 128>}, {pipeline_mode = #tpu.pipeline_mode<synchronous>, transform_indices = @transform_2, window_bounds = array<i64: 1, 128>}, {transform_indices = @transform_3, window_bounds = array<i64: 2000, 128>}]} {
    %get3A = arith.constant 0 : index
    %get3A_0 = arith.constant 0 : index
    %get3A_1 = vector.load %arg1[%get3A, %get3A_0] : memref<2000x128xf32, #tpu.memory_space<vmem>>, vector<2000x128xf32>
    %get3A_2 = arith.constant 0 : index
    %get3A_3 = arith.constant 0 : index
    %get3A_4 = vector.load %arg2[%get3A_2, %get3A_3] : memref<128x128xf32, #tpu.memory_space<vmem>>, vector<128x128xf32>
    %dot_general3A = arith.constant dense<0.000000e+00> : vector<2000x128xf32>
    %dot_general3A_5 = tpu.matmul %get3A_1, %get3A_4, %dot_general3A {dimension_numbers = #tpu.dot_dimension_numbers<[1], [0], [0], [1], [0, 0, 1, 1], [], []>, transpose_lhs_hint = false} : vector<2000x128xf32>, vector<128x128xf32>, vector<2000x128xf32> -> vector<2000x128xf32>
    %get3A_6 = arith.constant 0 : index
    %get3A_7 = arith.constant 0 : index
    %get3A_8 = vector.load %arg3[%get3A_6, %get3A_7] : memref<1x128xf32, #tpu.memory_space<vmem>>, vector<1x128xf32>
    %add3A = vector.broadcast %get3A_8 : vector<1x128xf32> to vector<2000x128xf32>
    %add3A_9 = arith.addf %dot_general3A_5, %add3A : vector<2000x128xf32>
    %mul3A = arith.constant 5.000000e-01 : f32
    %mul3A_10 = vector.broadcast %mul3A : f32 to vector<2000x128xf32>
    %mul3A_11 = arith.mulf %mul3A_10, %add3A_9 : vector<2000x128xf32>
    %mul3A_12 = arith.constant 0.707106769 : f32
    %mul3A_13 = vector.broadcast %mul3A_12 : f32 to vector<2000x128xf32>
    %mul3A_14 = arith.mulf %add3A_9, %mul3A_13 : vector<2000x128xf32>
    %erf3A = math.erf %mul3A_14 : vector<2000x128xf32>
    %add3A_15 = arith.constant 1.000000e+00 : f32
    %add3A_16 = vector.broadcast %add3A_15 : f32 to vector<2000x128xf32>
    %add3A_17 = arith.addf %add3A_16, %erf3A : vector<2000x128xf32>
    %mul3A_18 = arith.mulf %mul3A_11, %add3A_17 : vector<2000x128xf32>
    %swap3A = arith.constant 0 : index
    %swap3A_19 = arith.constant 0 : index
    %swap3A_20 = vector.load %arg4[%swap3A, %swap3A_19] : memref<2000x128xf32, #tpu.memory_space<vmem>>, vector<2000x128xf32>
    tpu.vector_store %arg4[%swap3A, %swap3A_19], %mul3A_18 {strides = array<i32>} : memref<2000x128xf32, #tpu.memory_space<vmem>>, vector<2000x128xf32>,
    return
  }
  func.func @transform_0(%arg0: i32) -> (i32, i32) {
    %c0_i32 = arith.constant 0 : i32
    %c0_i32_0 = arith.constant 0 : i32
    return %arg0, %c0_i32 : i32, i32
  }
  func.func @transform_1(%arg0: i32) -> (i32, i32) {
    %c0_i32 = arith.constant 0 : i32
    %c0_i32_0 = arith.constant 0 : i32
    %c0_i32_1 = arith.constant 0 : i32
    return %c0_i32, %c0_i32_0 : i32, i32
  }
  func.func @transform_2(%arg0: i32) -> (i32, i32) {
    %c0_i32 = arith.constant 0 : i32
    %c0_i32_0 = arith.constant 0 : i32
    %c0_i32_1 = arith.constant 0 : i32
    return %c0_i32, %c0_i32_0 : i32, i32
  }
  func.func @transform_3(%arg0: i32) -> (i32, i32) {
    %c0_i32 = arith.constant 0 : i32
    %c0_i32_0 = arith.constant 0 : i32
    return %arg0, %c0_i32 : i32, i32
  }
}

module attributes {stable_mosaic.version = 14 : i64} {
  func.func @_final_body(%arg0: i32, %arg1: memref<1000x128xf32, #tpu.memory_space<vmem>>, %arg2: memref<2x1000x128xf32, #tpu.memory_space<vmem>>, %arg3: memref<2x1000x16xf32, #tpu.memory_space<vmem>>, %arg4: memref<2x1000x128xf32, #tpu.memory_space<vmem>>, %arg5: memref<16x128xf32, #tpu.memory_space<vmem>>, %arg6: memref<128x128xf32, #tpu.memory_space<vmem>>, %arg7: memref<1x128xf32, #tpu.memory_space<vmem>>, %arg8: memref<128x512xf32, #tpu.memory_space<vmem>>, %arg9: memref<1x512xf32, #tpu.memory_space<vmem>>, %arg10: memref<512x128xf32, #tpu.memory_space<vmem>>, %arg11: memref<1x128xf32, #tpu.memory_space<vmem>>, %arg12: memref<1x128xf32, #tpu.memory_space<vmem>>, %arg13: memref<1x128xf32, #tpu.memory_space<vmem>>, %arg14: memref<1000x128xf32, #tpu.memory_space<vmem>>) attributes {dimension_semantics = [#tpu.dimension_semantics<arbitrary>], iteration_bounds = array<i64: 10>, scalar_prefetch = 0 : i64, scratch_operands = 0 : i64, tpu.core_type = #tpu.core_type<tc>, window_params = [{transform_indices = @transform_0, window_bounds = array<i64: 1000, 128>}, {transform_indices = @transform_1, window_bounds = array<i64: 2, 1000, 128>}, {transform_indices = @transform_2, window_bounds = array<i64: 2, 1000, 16>}, {transform_indices = @transform_3, window_bounds = array<i64: 2, 1000, 128>}, {pipeline_mode = #tpu.pipeline_mode<synchronous>, transform_indices = @transform_4, window_bounds = array<i64: 16, 128>}, {pipeline_mode = #tpu.pipeline_mode<synchronous>, transform_indices = @transform_5, window_bounds = array<i64: 128, 128>}, {pipeline_mode = #tpu.pipeline_mode<synchronous>, transform_indices = @transform_6, window_bounds = array<i64: 1, 128>}, {pipeline_mode = #tpu.pipeline_mode<synchronous>, transform_indices = @transform_7, window_bounds = array<i64: 128, 512>}, {pipeline_mode = #tpu.pipeline_mode<synchronous>, transform_indices = @transform_8, window_bounds = array<i64: 1, 512>}, {pipeline_mode = #tpu.pipeline_mode<synchronous>, transform_indices = @transform_9, window_bounds = array<i64: 512, 128>}, {pipeline_mode = #tpu.pipeline_mode<synchronous>, transform_indices = @transform_10, window_bounds = array<i64: 1, 128>}, {pipeline_mode = #tpu.pipeline_mode<synchronous>, transform_indices = @transform_11, window_bounds = array<i64: 1, 128>}, {pipeline_mode = #tpu.pipeline_mode<synchronous>, transform_indices = @transform_12, window_bounds = array<i64: 1, 128>}, {transform_indices = @transform_13, window_bounds = array<i64: 1000, 128>}]} {
    %get3A = arith.constant 0 : index
    %get3A_0 = arith.constant 0 : index
    %get3A_1 = arith.constant 0 : index
    %get3A_2 = vector.load %arg2[%get3A, %get3A_0, %get3A_1] : memref<2x1000x128xf32, #tpu.memory_space<vmem>>, vector<1x1000x128xf32>
    %get3A_3 = vector.shape_cast %get3A_2 : vector<1x1000x128xf32> to vector<1000x128xf32>
    %get3A_4 = arith.constant 1 : index
    %get3A_5 = arith.constant 0 : index
    %get3A_6 = arith.constant 0 : index
    %get3A_7 = vector.load %arg2[%get3A_4, %get3A_5, %get3A_6] : memref<2x1000x128xf32, #tpu.memory_space<vmem>>, vector<1x1000x128xf32>
    %get3A_8 = vector.shape_cast %get3A_7 : vector<1x1000x128xf32> to vector<1000x128xf32>
    %add3A = arith.addf %get3A_3, %get3A_8 : vector<1000x128xf32>
    %get3A_9 = arith.constant 0 : index
    %get3A_10 = arith.constant 0 : index
    %get3A_11 = arith.constant 0 : index
    %get3A_12 = vector.load %arg3[%get3A_9, %get3A_10, %get3A_11] : memref<2x1000x16xf32, #tpu.memory_space<vmem>>, vector<1x1000x16xf32>
    %get3A_13 = vector.shape_cast %get3A_12 : vector<1x1000x16xf32> to vector<1000x16xf32>
    %get3A_14 = arith.constant 1 : index
    %get3A_15 = arith.constant 0 : index
    %get3A_16 = arith.constant 0 : index
    %get3A_17 = vector.load %arg3[%get3A_14, %get3A_15, %get3A_16] : memref<2x1000x16xf32, #tpu.memory_space<vmem>>, vector<1x1000x16xf32>
    %get3A_18 = vector.shape_cast %get3A_17 : vector<1x1000x16xf32> to vector<1000x16xf32>
    %add3A_19 = arith.addf %get3A_13, %get3A_18 : vector<1000x16xf32>
    %get3A_20 = arith.constant 0 : index
    %get3A_21 = arith.constant 0 : index
    %get3A_22 = arith.constant 0 : index
    %get3A_23 = vector.load %arg4[%get3A_20, %get3A_21, %get3A_22] : memref<2x1000x128xf32, #tpu.memory_space<vmem>>, vector<1x1000x128xf32>
    %get3A_24 = vector.shape_cast %get3A_23 : vector<1x1000x128xf32> to vector<1000x128xf32>
    %get3A_25 = arith.constant 1 : index
    %get3A_26 = arith.constant 0 : index
    %get3A_27 = arith.constant 0 : index
    %get3A_28 = vector.load %arg4[%get3A_25, %get3A_26, %get3A_27] : memref<2x1000x128xf32, #tpu.memory_space<vmem>>, vector<1x1000x128xf32>
    %get3A_29 = vector.shape_cast %get3A_28 : vector<1x1000x128xf32> to vector<1000x128xf32>
    %add3A_30 = arith.addf %get3A_24, %get3A_29 : vector<1000x128xf32>
    %get3A_31 = arith.constant 0 : index
    %get3A_32 = arith.constant 0 : index
    %get3A_33 = vector.load %arg5[%get3A_31, %get3A_32] : memref<16x128xf32, #tpu.memory_space<vmem>>, vector<16x128xf32>
    %dot_general3A = arith.constant dense<0.000000e+00> : vector<1000x128xf32>
    %dot_general3A_34 = tpu.matmul %add3A_19, %get3A_33, %dot_general3A {dimension_numbers = #tpu.dot_dimension_numbers<[1], [0], [0], [1], [0, 0, 1, 1], [], []>, transpose_lhs_hint = false} : vector<1000x16xf32>, vector<16x128xf32>, vector<1000x128xf32> -> vector<1000x128xf32>
    %add3A_35 = arith.constant 1.000000e-16 : f32
    %add3A_36 = vector.broadcast %add3A_35 : f32 to vector<1000x128xf32>
    %add3A_37 = arith.addf %dot_general3A_34, %add3A_36 : vector<1000x128xf32>
    %div3A = arith.divf %add3A, %add3A_37 : vector<1000x128xf32>
    %get3A_38 = arith.constant 0 : index
    %get3A_39 = arith.constant 0 : index
    %get3A_40 = vector.load %arg6[%get3A_38, %get3A_39] : memref<128x128xf32, #tpu.memory_space<vmem>>, vector<128x128xf32>
    %dot_general3A_41 = arith.constant dense<0.000000e+00> : vector<1000x128xf32>
    %dot_general3A_42 = tpu.matmul %div3A, %get3A_40, %dot_general3A_41 {dimension_numbers = #tpu.dot_dimension_numbers<[1], [0], [0], [1], [0, 0, 1, 1], [], []>, transpose_lhs_hint = false} : vector<1000x128xf32>, vector<128x128xf32>, vector<1000x128xf32> -> vector<1000x128xf32>
    %get3A_43 = arith.constant 0 : index
    %get3A_44 = arith.constant 0 : index
    %get3A_45 = vector.load %arg7[%get3A_43, %get3A_44] : memref<1x128xf32, #tpu.memory_space<vmem>>, vector<1x128xf32>
    %add3A_46 = vector.broadcast %get3A_45 : vector<1x128xf32> to vector<1000x128xf32>
    %add3A_47 = arith.addf %dot_general3A_42, %add3A_46 : vector<1000x128xf32>
    %get3A_48 = arith.constant 0 : index
    %get3A_49 = arith.constant 0 : index
    %get3A_50 = vector.load %arg12[%get3A_48, %get3A_49] : memref<1x128xf32, #tpu.memory_space<vmem>>, vector<1x128xf32>
    %get3A_51 = arith.constant 0 : index
    %get3A_52 = arith.constant 0 : index
    %get3A_53 = vector.load %arg13[%get3A_51, %get3A_52] : memref<1x128xf32, #tpu.memory_space<vmem>>, vector<1x128xf32>
    %get3A_54 = arith.constant 0 : index
    %get3A_55 = arith.constant 0 : index
    %get3A_56 = vector.load %arg1[%get3A_54, %get3A_55] : memref<1000x128xf32, #tpu.memory_space<vmem>>, vector<1000x128xf32>
    %add3A_57 = arith.addf %get3A_56, %add3A_47 : vector<1000x128xf32>
    %mul3A = arith.constant 5.000000e-01 : f32
    %mul3A_58 = vector.broadcast %mul3A : f32 to vector<1000x128xf32>
    %mul3A_59 = arith.mulf %mul3A_58, %add3A_57 : vector<1000x128xf32>
    %mul3A_60 = arith.constant 0.707106769 : f32
    %mul3A_61 = vector.broadcast %mul3A_60 : f32 to vector<1000x128xf32>
    %mul3A_62 = arith.mulf %add3A_57, %mul3A_61 : vector<1000x128xf32>
    %erf3A = math.erf %mul3A_62 : vector<1000x128xf32>
    %add3A_63 = arith.constant 1.000000e+00 : f32
    %add3A_64 = vector.broadcast %add3A_63 : f32 to vector<1000x128xf32>
    %add3A_65 = arith.addf %add3A_64, %erf3A : vector<1000x128xf32>
    %mul3A_66 = arith.mulf %mul3A_59, %add3A_65 : vector<1000x128xf32>
    %reduce_sum3A = arith.constant dense<0.000000e+00> : vector<1000xf32>
    %reduce_sum3A_67 = vector.multi_reduction <add>, %mul3A_66, %reduce_sum3A [1] : vector<1000x128xf32> to vector<1000xf32>
    %broadcast_in_dim3A = vector.shape_cast %reduce_sum3A_67 : vector<1000xf32> to vector<1000x1xf32>
    %div3A_68 = arith.constant 1.280000e+02 : f32
    %div3A_69 = vector.broadcast %div3A_68 : f32 to vector<1000x1xf32>
    %div3A_70 = arith.divf %broadcast_in_dim3A, %div3A_69 : vector<1000x1xf32>
    %sub3A = vector.broadcast %div3A_70 : vector<1000x1xf32> to vector<1000x128xf32>
    %sub3A_71 = arith.subf %mul3A_66, %sub3A : vector<1000x128xf32>
    %integer_pow3A = arith.mulf %sub3A_71, %sub3A_71 : vector<1000x128xf32>
    %reduce_sum3A_72 = arith.constant dense<0.000000e+00> : vector<1000xf32>
    %reduce_sum3A_73 = vector.multi_reduction <add>, %integer_pow3A, %reduce_sum3A_72 [1] : vector<1000x128xf32> to vector<1000xf32>
    %broadcast_in_dim3A_74 = vector.shape_cast %reduce_sum3A_73 : vector<1000xf32> to vector<1000x1xf32>
    %div3A_75 = arith.constant 1.280000e+02 : f32
    %div3A_76 = vector.broadcast %div3A_75 : f32 to vector<1000x1xf32>
    %div3A_77 = arith.divf %broadcast_in_dim3A_74, %div3A_76 : vector<1000x1xf32>
    %sub3A_78 = vector.broadcast %div3A_70 : vector<1000x1xf32> to vector<1000x128xf32>
    %sub3A_79 = arith.subf %mul3A_66, %sub3A_78 : vector<1000x128xf32>
    %add3A_80 = arith.constant 9.99999974E-6 : f32
    %add3A_81 = vector.broadcast %add3A_80 : f32 to vector<1000x1xf32>
    %add3A_82 = arith.addf %div3A_77, %add3A_81 : vector<1000x1xf32>
    %rsqrt3A = math.rsqrt %add3A_82 : vector<1000x1xf32>
    %mul3A_83 = vector.broadcast %rsqrt3A : vector<1000x1xf32> to vector<1000x128xf32>
    %mul3A_84 = arith.mulf %sub3A_79, %mul3A_83 : vector<1000x128xf32>
    %mul3A_85 = vector.broadcast %get3A_50 : vector<1x128xf32> to vector<1000x128xf32>
    %mul3A_86 = arith.mulf %mul3A_84, %mul3A_85 : vector<1000x128xf32>
    %add3A_87 = vector.broadcast %get3A_53 : vector<1x128xf32> to vector<1000x128xf32>
    %add3A_88 = arith.addf %mul3A_86, %add3A_87 : vector<1000x128xf32>
    %add3A_89 = arith.addf %add3A_88, %add3A_30 : vector<1000x128xf32>
    %mul3A_90 = arith.constant 5.000000e-01 : f32
    %mul3A_91 = vector.broadcast %mul3A_90 : f32 to vector<1000x128xf32>
    %mul3A_92 = arith.mulf %mul3A_91, %add3A_89 : vector<1000x128xf32>
    %mul3A_93 = arith.constant 0.707106769 : f32
    %mul3A_94 = vector.broadcast %mul3A_93 : f32 to vector<1000x128xf32>
    %mul3A_95 = arith.mulf %add3A_89, %mul3A_94 : vector<1000x128xf32>
    %erf3A_96 = math.erf %mul3A_95 : vector<1000x128xf32>
    %add3A_97 = arith.constant 1.000000e+00 : f32
    %add3A_98 = vector.broadcast %add3A_97 : f32 to vector<1000x128xf32>
    %add3A_99 = arith.addf %add3A_98, %erf3A_96 : vector<1000x128xf32>
    %mul3A_100 = arith.mulf %mul3A_92, %add3A_99 : vector<1000x128xf32>
    %reduce_sum3A_101 = arith.constant dense<0.000000e+00> : vector<1000xf32>
    %reduce_sum3A_102 = vector.multi_reduction <add>, %mul3A_100, %reduce_sum3A_101 [1] : vector<1000x128xf32> to vector<1000xf32>
    %broadcast_in_dim3A_103 = vector.shape_cast %reduce_sum3A_102 : vector<1000xf32> to vector<1000x1xf32>
    %div3A_104 = arith.constant 1.280000e+02 : f32
    %div3A_105 = vector.broadcast %div3A_104 : f32 to vector<1000x1xf32>
    %div3A_106 = arith.divf %broadcast_in_dim3A_103, %div3A_105 : vector<1000x1xf32>
    %sub3A_107 = vector.broadcast %div3A_106 : vector<1000x1xf32> to vector<1000x128xf32>
    %sub3A_108 = arith.subf %mul3A_100, %sub3A_107 : vector<1000x128xf32>
    %integer_pow3A_109 = arith.mulf %sub3A_108, %sub3A_108 : vector<1000x128xf32>
    %reduce_sum3A_110 = arith.constant dense<0.000000e+00> : vector<1000xf32>
    %reduce_sum3A_111 = vector.multi_reduction <add>, %integer_pow3A_109, %reduce_sum3A_110 [1] : vector<1000x128xf32> to vector<1000xf32>
    %broadcast_in_dim3A_112 = vector.shape_cast %reduce_sum3A_111 : vector<1000xf32> to vector<1000x1xf32>
    %div3A_113 = arith.constant 1.280000e+02 : f32
    %div3A_114 = vector.broadcast %div3A_113 : f32 to vector<1000x1xf32>
    %div3A_115 = arith.divf %broadcast_in_dim3A_112, %div3A_114 : vector<1000x1xf32>
    %sub3A_116 = vector.broadcast %div3A_106 : vector<1000x1xf32> to vector<1000x128xf32>
    %sub3A_117 = arith.subf %mul3A_100, %sub3A_116 : vector<1000x128xf32>
    %add3A_118 = arith.constant 9.99999974E-6 : f32
    %add3A_119 = vector.broadcast %add3A_118 : f32 to vector<1000x1xf32>
    %add3A_120 = arith.addf %div3A_115, %add3A_119 : vector<1000x1xf32>
    %rsqrt3A_121 = math.rsqrt %add3A_120 : vector<1000x1xf32>
    %mul3A_122 = vector.broadcast %rsqrt3A_121 : vector<1000x1xf32> to vector<1000x128xf32>
    %mul3A_123 = arith.mulf %sub3A_117, %mul3A_122 : vector<1000x128xf32>
    %mul3A_124 = vector.broadcast %get3A_50 : vector<1x128xf32> to vector<1000x128xf32>
    %mul3A_125 = arith.mulf %mul3A_123, %mul3A_124 : vector<1000x128xf32>
    %add3A_126 = vector.broadcast %get3A_53 : vector<1x128xf32> to vector<1000x128xf32>
    %add3A_127 = arith.addf %mul3A_125, %add3A_126 : vector<1000x128xf32>
    %get3A_128 = arith.constant 0 : index
    %get3A_129 = arith.constant 0 : index
    %get3A_130 = vector.load %arg8[%get3A_128, %get3A_129] : memref<128x512xf32, #tpu.memory_space<vmem>>, vector<128x512xf32>
    %dot_general3A_131 = arith.constant dense<0.000000e+00> : vector<1000x512xf32>
    %dot_general3A_132 = tpu.matmul %add3A_127, %get3A_130, %dot_general3A_131 {dimension_numbers = #tpu.dot_dimension_numbers<[1], [0], [0], [1], [0, 0, 1, 1], [], []>, transpose_lhs_hint = false} : vector<1000x128xf32>, vector<128x512xf32>, vector<1000x512xf32> -> vector<1000x512xf32>
    %get3A_133 = arith.constant 0 : index
    %get3A_134 = arith.constant 0 : index
    %get3A_135 = vector.load %arg9[%get3A_133, %get3A_134] : memref<1x512xf32, #tpu.memory_space<vmem>>, vector<1x512xf32>
    %add3A_136 = vector.broadcast %get3A_135 : vector<1x512xf32> to vector<1000x512xf32>
    %add3A_137 = arith.addf %dot_general3A_132, %add3A_136 : vector<1000x512xf32>
    %mul3A_138 = arith.constant 5.000000e-01 : f32
    %mul3A_139 = vector.broadcast %mul3A_138 : f32 to vector<1000x512xf32>
    %mul3A_140 = arith.mulf %mul3A_139, %add3A_137 : vector<1000x512xf32>
    %mul3A_141 = arith.constant 0.707106769 : f32
    %mul3A_142 = vector.broadcast %mul3A_141 : f32 to vector<1000x512xf32>
    %mul3A_143 = arith.mulf %add3A_137, %mul3A_142 : vector<1000x512xf32>
    %erf3A_144 = math.erf %mul3A_143 : vector<1000x512xf32>
    %add3A_145 = arith.constant 1.000000e+00 : f32
    %add3A_146 = vector.broadcast %add3A_145 : f32 to vector<1000x512xf32>
    %add3A_147 = arith.addf %add3A_146, %erf3A_144 : vector<1000x512xf32>
    %mul3A_148 = arith.mulf %mul3A_140, %add3A_147 : vector<1000x512xf32>
    %get3A_149 = arith.constant 0 : index
    %get3A_150 = arith.constant 0 : index
    %get3A_151 = vector.load %arg10[%get3A_149, %get3A_150] : memref<512x128xf32, #tpu.memory_space<vmem>>, vector<512x128xf32>
    %dot_general3A_152 = arith.constant dense<0.000000e+00> : vector<1000x128xf32>
    %dot_general3A_153 = tpu.matmul %mul3A_148, %get3A_151, %dot_general3A_152 {dimension_numbers = #tpu.dot_dimension_numbers<[1], [0], [0], [1], [0, 0, 1, 1], [], []>, transpose_lhs_hint = false} : vector<1000x512xf32>, vector<512x128xf32>, vector<1000x128xf32> -> vector<1000x128xf32>
    %get3A_154 = arith.constant 0 : index
    %get3A_155 = arith.constant 0 : index
    %get3A_156 = vector.load %arg11[%get3A_154, %get3A_155] : memref<1x128xf32, #tpu.memory_space<vmem>>, vector<1x128xf32>
    %add3A_157 = vector.broadcast %get3A_156 : vector<1x128xf32> to vector<1000x128xf32>
    %add3A_158 = arith.addf %dot_general3A_153, %add3A_157 : vector<1000x128xf32>
    %add3A_159 = arith.addf %add3A_127, %add3A_158 : vector<1000x128xf32>
    %mul3A_160 = arith.constant 5.000000e-01 : f32
    %mul3A_161 = vector.broadcast %mul3A_160 : f32 to vector<1000x128xf32>
    %mul3A_162 = arith.mulf %mul3A_161, %add3A_159 : vector<1000x128xf32>
    %mul3A_163 = arith.constant 0.707106769 : f32
    %mul3A_164 = vector.broadcast %mul3A_163 : f32 to vector<1000x128xf32>
    %mul3A_165 = arith.mulf %add3A_159, %mul3A_164 : vector<1000x128xf32>
    %erf3A_166 = math.erf %mul3A_165 : vector<1000x128xf32>
    %add3A_167 = arith.constant 1.000000e+00 : f32
    %add3A_168 = vector.broadcast %add3A_167 : f32 to vector<1000x128xf32>
    %add3A_169 = arith.addf %add3A_168, %erf3A_166 : vector<1000x128xf32>
    %mul3A_170 = arith.mulf %mul3A_162, %add3A_169 : vector<1000x128xf32>
    %reduce_sum3A_171 = arith.constant dense<0.000000e+00> : vector<1000xf32>
    %reduce_sum3A_172 = vector.multi_reduction <add>, %mul3A_170, %reduce_sum3A_171 [1] : vector<1000x128xf32> to vector<1000xf32>
    %broadcast_in_dim3A_173 = vector.shape_cast %reduce_sum3A_172 : vector<1000xf32> to vector<1000x1xf32>
    %div3A_174 = arith.constant 1.280000e+02 : f32
    %div3A_175 = vector.broadcast %div3A_174 : f32 to vector<1000x1xf32>
    %div3A_176 = arith.divf %broadcast_in_dim3A_173, %div3A_175 : vector<1000x1xf32>
    %sub3A_177 = vector.broadcast %div3A_176 : vector<1000x1xf32> to vector<1000x128xf32>
    %sub3A_178 = arith.subf %mul3A_170, %sub3A_177 : vector<1000x128xf32>
    %integer_pow3A_179 = arith.mulf %sub3A_178, %sub3A_178 : vector<1000x128xf32>
    %reduce_sum3A_180 = arith.constant dense<0.000000e+00> : vector<1000xf32>
    %reduce_sum3A_181 = vector.multi_reduction <add>, %integer_pow3A_179, %reduce_sum3A_180 [1] : vector<1000x128xf32> to vector<1000xf32>
    %broadcast_in_dim3A_182 = vector.shape_cast %reduce_sum3A_181 : vector<1000xf32> to vector<1000x1xf32>
    %div3A_183 = arith.constant 1.280000e+02 : f32
    %div3A_184 = vector.broadcast %div3A_183 : f32 to vector<1000x1xf32>
    %div3A_185 = arith.divf %broadcast_in_dim3A_182, %div3A_184 : vector<1000x1xf32>
    %sub3A_186 = vector.broadcast %div3A_176 : vector<1000x1xf32> to vector<1000x128xf32>
    %sub3A_187 = arith.subf %mul3A_170, %sub3A_186 : vector<1000x128xf32>
    %add3A_188 = arith.constant 9.99999974E-6 : f32
    %add3A_189 = vector.broadcast %add3A_188 : f32 to vector<1000x1xf32>
    %add3A_190 = arith.addf %div3A_185, %add3A_189 : vector<1000x1xf32>
    %rsqrt3A_191 = math.rsqrt %add3A_190 : vector<1000x1xf32>
    %mul3A_192 = vector.broadcast %rsqrt3A_191 : vector<1000x1xf32> to vector<1000x128xf32>
    %mul3A_193 = arith.mulf %sub3A_187, %mul3A_192 : vector<1000x128xf32>
    %mul3A_194 = vector.broadcast %get3A_50 : vector<1x128xf32> to vector<1000x128xf32>
    %mul3A_195 = arith.mulf %mul3A_193, %mul3A_194 : vector<1000x128xf32>
    %add3A_196 = vector.broadcast %get3A_53 : vector<1x128xf32> to vector<1000x128xf32>
    %add3A_197 = arith.addf %mul3A_195, %add3A_196 : vector<1000x128xf32>
    %swap3A = arith.constant 0 : index
    %swap3A_198 = arith.constant 0 : index
    %swap3A_199 = vector.load %arg14[%swap3A, %swap3A_198] : memref<1000x128xf32, #tpu.memory_space<vmem>>, vector<1000x128xf32>
    tpu.vector_store %arg14[%swap3A, %swap3A_198], %add3A_197 {strides = array<i32>} : memref<1000x128xf32, #tpu.memory_space<vmem>>, vector<1000x128xf32>,
    return
  }
  func.func @transform_0(%arg0: i32) -> (i32, i32) {
    %c0_i32 = arith.constant 0 : i32
    %c0_i32_0 = arith.constant 0 : i32
    return %arg0, %c0_i32 : i32, i32
  }
  func.func @transform_1(%arg0: i32) -> (i32, i32, i32) {
    %c0_i32 = arith.constant 0 : i32
    %c0_i32_0 = arith.constant 0 : i32
    %c0_i32_1 = arith.constant 0 : i32
    return %c0_i32, %arg0, %c0_i32_0 : i32, i32, i32
  }
  func.func @transform_2(%arg0: i32) -> (i32, i32, i32) {
    %c0_i32 = arith.constant 0 : i32
    %c0_i32_0 = arith.constant 0 : i32
    %c0_i32_1 = arith.constant 0 : i32
    return %c0_i32, %arg0, %c0_i32_0 : i32, i32, i32
  }
  func.func @transform_3(%arg0: i32) -> (i32, i32, i32) {
    %c0_i32 = arith.constant 0 : i32
    %c0_i32_0 = arith.constant 0 : i32
    %c0_i32_1 = arith.constant 0 : i32
    return %c0_i32, %arg0, %c0_i32_0 : i32, i32, i32
  }
  func.func @transform_4(%arg0: i32) -> (i32, i32) {
    %c0_i32 = arith.constant 0 : i32
    %c0_i32_0 = arith.constant 0 : i32
    %c0_i32_1 = arith.constant 0 : i32
    return %c0_i32, %c0_i32_0 : i32, i32
  }
  func.func @transform_5(%arg0: i32) -> (i32, i32) {
    %c0_i32 = arith.constant 0 : i32
    %c0_i32_0 = arith.constant 0 : i32
    %c0_i32_1 = arith.constant 0 : i32
    return %c0_i32, %c0_i32_0 : i32, i32
  }
  func.func @transform_6(%arg0: i32) -> (i32, i32) {
    %c0_i32 = arith.constant 0 : i32
    %c0_i32_0 = arith.constant 0 : i32
    %c0_i32_1 = arith.constant 0 : i32
    return %c0_i32, %c0_i32_0 : i32, i32
  }
  func.func @transform_7(%arg0: i32) -> (i32, i32) {
    %c0_i32 = arith.constant 0 : i32
    %c0_i32_0 = arith.constant 0 : i32
    %c0_i32_1 = arith.constant 0 : i32
    return %c0_i32, %c0_i32_0 : i32, i32
  }
  func.func @transform_8(%arg0: i32) -> (i32, i32) {
    %c0_i32 = arith.constant 0 : i32
    %c0_i32_0 = arith.constant 0 : i32
    %c0_i32_1 = arith.constant 0 : i32
    return %c0_i32, %c0_i32_0 : i32, i32
  }
  func.func @transform_9(%arg0: i32) -> (i32, i32) {
    %c0_i32 = arith.constant 0 : i32
    %c0_i32_0 = arith.constant 0 : i32
    %c0_i32_1 = arith.constant 0 : i32
    return %c0_i32, %c0_i32_0 : i32, i32
  }
  func.func @transform_10(%arg0: i32) -> (i32, i32) {
    %c0_i32 = arith.constant 0 : i32
    %c0_i32_0 = arith.constant 0 : i32
    %c0_i32_1 = arith.constant 0 : i32
    return %c0_i32, %c0_i32_0 : i32, i32
  }
  func.func @transform_11(%arg0: i32) -> (i32, i32) {
    %c0_i32 = arith.constant 0 : i32
    %c0_i32_0 = arith.constant 0 : i32
    %c0_i32_1 = arith.constant 0 : i32
    return %c0_i32, %c0_i32_0 : i32, i32
  }
  func.func @transform_12(%arg0: i32) -> (i32, i32) {
    %c0_i32 = arith.constant 0 : i32
    %c0_i32_0 = arith.constant 0 : i32
    %c0_i32_1 = arith.constant 0 : i32
    return %c0_i32, %c0_i32_0 : i32, i32
  }
  func.func @transform_13(%arg0: i32) -> (i32, i32) {
    %c0_i32 = arith.constant 0 : i32
    %c0_i32_0 = arith.constant 0 : i32
    return %arg0, %c0_i32 : i32, i32
  }
}

</mosaic_0001>

<sc_bundles>
// kernel: kernel.10.cloned.1.call-start
scs
__scs_entry_jumppad:
0x0: {  	(pc) =	sbr.rel $0x88, $3  }
0x1: {  	(tag) =	ssettag $0x0;
	lr =	simm.s32 $0x1  }
0x2: {  	[smem:$0x3F8E] =	sst lr;
	_ =	strace $0xD0000000  }
0x3: {  	_ = 	snop  }
0x4: {  	_ = 	snop  }
0x5: {  	_ = 	snop  }
0x6: {  	_ = 	snop  }
0x7: {  	_ = 	snop  }
__scs_overlays_trampoline_lowered:
0x8: {  	[smem:$0x3F9D] =	sst s0  }
0x9: {  	[smem:$0x3F9E] =	sst s1  }
0xa: {  	[smem:$0x3F9F] =	sst s2  }
0xb: {  	[smem:$0x3FA0] =	sst s3  }
0xc: {  	[smem:$0x3FA1] =	sst s4  }
0xd: {  	[smem:$0x3FA2] =	sst s5  }
0xe: {  	[smem:$0x3FA3] =	sst s6  }
0xf: {  	[smem:$0x3FA4] =	sst s7  }
0x10: {  	[smem:$0x3FA5] =	sst s8  }
0x11: {  	[smem:$0x3FA6] =	sst s9;
	s0 =	simm.s32 @!p0 $0x0  }
0x12: {  	s1 =	sld [smem:$0x3F8C];
	s0 =	simm.s32 @p0 $0x1  }
0x13: {  	[smem:$0x3FA7] =	sst s0;
	s0 =	simm.s32 @!p1 $0x0  }
0x14: {  	s2 =	sld [smem:$0x3F8B];
	s0 =	simm.s32 @p1 $0x1  }
0x15: {  	[smem:$0x3FA8] =	sst s0;
	s0 =	simm.s32 @!p2 $0x0  }
0x16: {  	s3 =	sld [smem:$0x3FDB];
	s0 =	simm.s32 @p2 $0x1  }
0x17: {  	s4 =	simm.s32 $0x1BF5;
	[smem:$0x3FAA] =	sst s0  }
0x18: {  	s0 =	sld [smem:$0x3F8D];
	_ =	swait.ge [sflag:s4], $0x0  }
0x19: {  	s7 =	sld [smem:$0x3F8E]  }
0x1a: {  	s8 =	sadd.s32 $0xFFFFE003, lr  }
0x1b: {  	s9 =	sadd.s32 $0xFFFFFEF7, lr;
	s5 =	simm.s32 $0xFFFFFFFF;
	p2 =	slt.u32 s8, $0xFFFFF086  }
0x1c: {  	p1 =	slt.u32 s9, $0xF7A;
	s5 =	simm.s32 @!p2 $0x0  }
0x1d: {  	s5 =	simm.s32 @p1 $0x1;
	p0 =	seq.s32 s7, s2  }
0x1e: {  	s7 =	smul.u32 @!p0 $0xF7A, s2;
	p2 =	seq.s32 @!p0 s5, $0x0  }
0x1f: {  	s9 =	smul.u32 $0xF7A, s1;
	s8 =	simm.s32 @!p0 $0x1BF5;
	p2 =	por !p2, p0  }
0x20: {  	[sflag:s8] =	ssyncset.s32 @!p0 $0xFFFFF086;
	s6 =	sadd.s32 @!p0 s3, s7;
	s7 =	simm.s32 @!p0 $0x108  }
0x21: {  	s3 =	sadd.s32 s3, s9;
	s6 =	sadd.s32 @!p0 $0x88, s6;
	s7 =	simm.s32 @p2 $0x1082  }
0x22: {  	[simem:s7], [sflag:s8] =	dma.local @!p0 [hbm:s6], $0xF7A  }
0x23: {  	s9 =	sor.u32 $0xD0000000, s2;
	s6 =	simm.s32 $0x108;
	_ =	swait.ge @!p0 [sflag:s8], $0x0  }
0x24: {  	s3 =	sadd.s32 $0x88, s3;
	s6 =	simm.s32 @!p1 $0x1082;
	[sflag:s4] =	ssyncset.s32 $0xFFFFF086  }
0x25: {  	[simem:s6], [sflag:s4] =	dma.local [hbm:s3], $0xF7A  }
0x26: {  	[smem:$0x3F8E] =	sst s1;
	(tag) =	ssettag s2;
	_ =	strace s9  }
0x27: {  	s1 =	sld [smem:$0x3F9E]  }
0x28: {  	s2 =	sld [smem:$0x3F9F]  }
0x29: {  	s4 =	sld [smem:$0x3FA1]  }
0x2a: {  	p0 =	seq.s32 s5, $0x0;
	s5 =	sld [smem:$0x3FA2]  }
0x2b: {  	s6 =	sld [smem:$0x3FA3]  }
0x2c: {  	s7 =	sld [smem:$0x3FA4]  }
0x2d: {  	s3 =	simm.s32 $0x108;
	s8 =	sld [smem:$0x3FA5]  }
0x2e: {  	s3 =	simm.s32 @!p0 $0x1082;
	s9 =	sld [smem:$0x3FA6]  }
0x2f: {  	lr =	sadd.s32 s0, s3;
	s0 =	sld [smem:$0x3F9D]  }
0x30: {  	s3 =	sld [smem:$0x3FA0]  }
0x31: {  	[smem:$0x3FA9] =	sst s10  }
0x32: {  	s10 =	sld [smem:$0x3FA7];
	_ =	sdelay $0x3  }
0x33: {  	p0 =	seq.s32 s10, $0x1;
	s10 =	sld [smem:$0x3FA9];
	_ =	sdelay $0x3  }
0x34: {  	[smem:$0x3FA9] =	sst s10  }
0x35: {  	s10 =	sld [smem:$0x3FA8];
	_ =	sdelay $0x3  }
0x36: {  	p1 =	seq.s32 s10, $0x1;
	s10 =	sld [smem:$0x3FA9];
	_ =	sdelay $0x3  }
0x37: {  	[smem:$0x3FA9] =	sst s10  }
0x38: {  	s10 =	sld [smem:$0x3FAA]  }
0x39: {  	_ = 	snop;
	(pc) =	sbr.ind lr, $3  }
0x3a: {  	_ = 	snop  }
0x3b: {  	_ = 	snop  }
0x3c: {  	p2 =	seq.s32 s10, $0x1;
	s10 =	sld [smem:$0x3FA9]  }
0x3d: {  	_ =	shalt  }
0x3e: {  	_ =	shalt  }
0x3f: {  	_ =	shalt  }
0x40: {  	_ =	shalt  }
0x41: {  	_ =	shalt  }
0x42: {  	_ =	shalt  }
0x43: {  	_ =	shalt  }
0x44: {  	_ =	shalt  }
0x45: {  	_ =	shalt  }
0x46: {  	_ =	shalt  }
0x47: {  	_ =	shalt  }
0x48: {  	_ =	shalt  }
0x49: {  	_ =	shalt  }
0x4a: {  	_ =	shalt  }
0x4b: {  	_ =	shalt  }
0x4c: {  	_ =	shalt  }
0x4d: {  	_ =	shalt  }
0x4e: {  	_ =	shalt  }
0x4f: {  	_ =	shalt  }
0x50: {  	_ =	shalt  }
0x51: {  	_ =	shalt  }
0x52: {  	_ =	shalt  }
0x53: {  	_ =	shalt  }
0x54: {  	_ =	shalt  }
0x55: {  	_ =	shalt  }
0x56: {  	_ =	shalt  }
0x57: {  	_ =	shalt  }
0x58: {  	_ =	shalt  }
0x59: {  	_ =	shalt  }
0x5a: {  	_ =	shalt  }
0x5b: {  	_ =	shalt  }
0x5c: {  	_ =	shalt  }
0x5d: {  	_ =	shalt  }
0x5e: {  	_ =	shalt  }
0x5f: {  	_ =	shalt  }
0x60: {  	_ =	shalt  }
0x61: {  	_ =	shalt  }
0x62: {  	_ =	shalt  }
0x63: {  	_ =	shalt  }
0x64: {  	_ =	shalt  }
0x65: {  	_ =	shalt  }
0x66: {  	_ =	shalt  }
0x67: {  	_ =	shalt  }
0x68: {  	_ =	shalt  }
0x69: {  	_ =	shalt  }
0x6a: {  	_ =	shalt  }
0x6b: {  	_ =	shalt  }
0x6c: {  	_ =	shalt  }
0x6d: {  	_ =	shalt  }
0x6e: {  	_ =	shalt  }
0x6f: {  	_ =	shalt  }
0x70: {  	_ =	shalt  }
0x71: {  	_ =	shalt  }
0x72: {  	_ =	shalt  }
0x73: {  	_ =	shalt  }
0x74: {  	_ =	shalt  }
0x75: {  	_ =	shalt  }
0x76: {  	_ =	shalt  }
0x77: {  	_ =	shalt  }
0x78: {  	_ =	shalt  }
0x79: {  	_ =	shalt  }
0x7a: {  	_ =	shalt  }
0x7b: {  	_ =	shalt  }
0x7c: {  	_ =	shalt  }
0x7d: {  	_ =	shalt  }
0x7e: {  	_ =	shalt  }
0x7f: {  	_ =	shalt  }
0x80: {  	_ =	shalt  }
0x81: {  	_ =	shalt  }
0x82: {  	_ =	shalt  }
0x83: {  	_ =	shalt  }
0x84: {  	_ =	shalt  }
0x85: {  	_ =	shalt  }
0x86: {  	_ =	shalt  }
0x87: {  	_ =	shalt  }
.Lfunc_end0:
.L_simem_size_0:
called_computation.1_lowered:
.L_overlay_start_0:
0x88: {  	s2 =	sld [smem:$0x3FD9]  }
0x89: {  	s3 =	sld [smem:$0x3FFE];
	_ =	sdelay $0x1  }
0x8a: {  	s1 =	srdreg.scid  }
0x8b: {  	s0 =	sand.u32 $0x1, s1  }
0x8c: {  	s15 =	sshll.u32 s0, $0xA;
	s2 =	sadd.s32 s3, s2  }
0x8d: {  	s2 =	sadd.s32 s2, s15  }
0x8e: {  	[smem:$0x3FB5] =	sst s2  }
0x8f: {  	_ = 	snop  }
0x90: {  	s2 =	sld [smem:$0x3FD0];
	_ =	sdelay $0x2  }
0x91: {  	s16 =	simm.s32 $0xB;
	s4 =	simm.s32 $0x10  }
0x92: {  	[smem:s4], [sflag:s16] =	dma.local [hbm:s2], $0x1  }
0x93: {  	_ =	swait.eq [sflag:s16], $0x1  }
0x94: {  	[sflag:s16] =	ssyncset.done $0x0  }
0x95: {  	[sflag:s16] =	ssyncadd.s32 $0xFFFFFFFF  }
0x96: {  	s17 =	sld [smem:$0x12];
	(tm) =	ssettm $0x1  }
0x97: {  	s18 =	sld [smem:$0x3FFB];
	_ =	sdelay $0x3  }
0x98: {  	_ =	strace s18  }
0x99: {  	s2 =	sld [smem:$0x3FFC];
	_ =	sdelay $0x3  }
0x9a: {  	_ =	strace s2  }
0x9b: {  	s2 =	sld [smem:$0x3FFD];
	_ =	sdelay $0x3  }
0x9c: {  	_ =	strace s2  }
0x9d: {  	_ =	strace $0x8FFFFFFF  }
0x9e: {  	s19 =	sld [smem:$0x3FDB];
	_ =	sdelay $0x1  }
0x9f: {  	s20 =	simm.s32 $_scs_section_size  }
0xa0: {  	s5 =	simm.s32 $_size__tile_overlayer_lowered;
	s6 =	simm.s32 $_tile_overlayer_lowered  }
0xa1: {  	s7 =	simm.s32 $0x1BFF;
	s21 =	sshll.u32 s6, $0x1;
	s4 =	sadd.s32 s20, s19  }
0xa2: {  	s22 =	simm.s32 $0x0;
	s5 =	sshll.u32 s5, $0x1;
	s6 =	sadd.s32 s21, s4  }
0xa3: {  	[timem:s22], [sflag:s7] =	dma.local [hbm:s6], s5  }
0xa4: {  	_ =	swait.ge [sflag:s7], s5  }
0xa5: {  	s5 =	ssub.s32 $0x0, s5;
	[sflag:s7] =	ssyncset.done $0x0  }
0xa6: {  	[sflag:s7] =	ssyncadd.s32 s5;
	_ =	sdelay $0x1  }
0xa7: {  	s23 =	simm.s32 $0x1B8B  }
0xa8: {  	_ =	swait.ge [sflag:s23], $0x1  }
0xa9: {  	[sflag:s23] =	ssyncset.done $0x0  }
0xaa: {  	[sflag:s23] =	ssyncadd.s32 $0xFFFFFFFF  }
0xab: {  	s5 =	sld [smem:$0x0]  }
0xac: {  	s6 =	sand.u32 $0xFFFFFFFE, s1  }
0xad: {  	p0 =	sne.s32 s1, s6  }
0xae: {  	s6 =	sshll.u32 @p0 s6, $0xE  }
0xaf: {  	s6 =	sadd.s32 @p0 $0x11B8D, s6;
	s7 =	sshll.u32 @p0 s5, $0x11  }
0xb0: {  	s6 =	sor.u32 @p0 s7, s6  }
0xb1: {  	[sflag:s6] =	ssyncadd.remote.s32 @p0 $0x1;
	_ =	sdelay $0x1  }
0xb2: {  	s6 =	simm.s32 @p0 $0x1B8D  }
0xb3: {  	_ =	swait.eq @p0 [sflag:s6], $0x1  }
0xb4: {  	[sflag:s6] =	ssyncadd.s32 @p0 $0xFFFFFFFF  }
0xb5: {  	s7 =	sshll.u32 @!p0 s1, $0xE  }
0xb6: {  	s7 =	sor.u32 @!p0 $0x4000, s7;
	s6 =	simm.s32 @!p0 $0x1B8D  }
0xb7: {  	s5 =	sshll.u32 @!p0 s5, $0x11;
	s7 =	sadd.s32 @!p0 $0x11B8D, s7;
	_ =	swait.eq @!p0 [sflag:s6], $0x1  }
0xb8: {  	s5 =	sor.u32 @!p0 s5, s7;
	[sflag:s6] =	ssyncadd.s32 @!p0 $0xFFFFFFFF  }
0xb9: {  	s25 =	simm.s32 $0x1B8E;
	s24 =	sld [smem:$0x3FFE];
	[sflag:s5] =	ssyncadd.remote.s32 @!p0 $0x1  }
0xba: {  	s26 =	simm.s32 $execute0_lowered;
	[smem:$0x3FD2] =	sst s25  }
0xbb: {  	s6 =	sshll.u32 s26, $0x1;
	_ =	strace $0x80000049;
	[dreg:$0x1] =	wrdreg $0xFFFFFFFF  }
0xbc: {  	s28 =	simm.s32 $_size_execute0_lowered;
	s4 =	sadd.s32 s4, s6;
	[dreg:$0x0] =	wrdreg $0x0  }
0xbd: {  	s6 =	sshll.u32 s28, $0x1;
	[dreg:$0x2] =	wrdreg s4  }
0xbe: {  	[dreg:$0x3] =	wrdreg s6  }
0xbf: {  	[dreg:$0x4] =	wrdreg $0xC0  }
0xc0: {  	_ =	task [dreg:s22], $0x5FFFF  }
0xc1: {  	[dreg:$0x1] =	wrdreg $0xFFFFFFFF  }
0xc2: {  	[dreg:$0x0] =	wrdreg $0x60  }
0xc3: {  	[dreg:$0x2] =	wrdreg s17  }
0xc4: {  	[dreg:$0x3] =	wrdreg s24  }
0xc5: {  	[dreg:$0x4] =	wrdreg $0x77100  }
0xc6: {  	[dreg:$0x5] =	wrdreg $0xA  }
0xc7: {  	_ =	task.clear_ibuf [dreg:s22], $0x6FFFF;
	_ =	strace $0x90000049  }
0xc8: {  	s29 =	simm.s32 $0xA;
	_ =	strace $0x8000004B  }
0xc9: {  	_ =	swait.ge [sflag:s29], $0x1  }
0xca: {  	[sflag:s29] =	ssyncadd.s32 $0xFFFFFFFF  }
0xcb: {  	_ =	strace $0x9000004B  }
0xcc: {  	_ =	sfence  }
0xcd: {  	s30 =	sld [smem:$0x0];
	_ =	sdelay $0x2  }
0xce: {  	s31 =	sshll.u32 s1, $0xD;
	s1 =	sshrl.u32 s1, $0x2  }
0xcf: {  	s4 =	sand.u32 $0x4000, s31;
	s1 =	sadd.s32 s1, s30  }
0xd0: {  	s0 =	sor.u32 s4, s0;
	s1 =	sshll.u32 s1, $0x11  }
0xd1: {  	s0 =	sor.u32 s1, s0  }
0xd2: {  	s0 =	sadd.s32 $0x8F2B, s0  }
0xd3: {  	[sflag:s0] =	ssyncadd.remote.s32 $0x1  }
0xd4: {  	_ =	sfence.sel $0xFFFF  }
0xd5: {  	[dreg:$0x0] =	wrdreg $0xFFFFFFFF;
	(pc) =	sbr.abs _section_cstart, $3  }
0xd6: {  	[dreg:$0x1] =	wrdreg $0xFFFFFFFF  }
0xd7: {  	_ =	task.clear_ibuf [dreg:s22], $0x2FFFF;
	_ =	strace $0x9FFFFFFF  }
0xd8: {  	(tm) =	ssettm $0x7FFFFFFF  }
0xd9: {  	_ =	shalt  }
tec
execute0_lowered:
.L_overlay_start_1:
0x0: {  	(tag) =	ssettag $0x1  }
0x1: {  	s10 =	rddreg [dreg:$0x0]  }
0x2: {  	s0 =	srdreg.scid;
	s5 =	rddreg [dreg:$0x1]  }
0x3: {  	s2 =	rddreg [dreg:$0x2];
	s3 =	simm.s32 $0x0;
	s16 =	simm.s32 $0x2710  }
0x4: {  	s17 =	simm.s32 $0x4F10;
	s18 =	simm.s32 $0x1;
	s19 =	simm.s32 $0x50  }
0x5: {  	s20 =	simm.s32 $0x2;
	s4 =	sand.u32 $0x1, s0;
	s0 =	stileid.u32  }
0x6: {  	s21 =	simm.s32 $0x2620;
	s22 =	simm.s32 $0x2670;
	s8 =	smul.u32 $0x14000, s0  }
0x7: {  	s23 =	simm.s32 $0x26C0;
	s24 =	simm.s32 $0x0;
	s9 =	smul.u32 $0x140000, s4  }
0x8: {  	[smem:$0x7FF] =	sst s3;
	s1 =	sshll.u32 s4, $0x4;
	s26 =	smul.u32 $0x27100, s4  }
0x9: {  	s12 =	ssub.s32 $0x2, s4;
	s28 =	sshll.u32 s0, $0x6;
	s29 =	smul.u32 $0x2710, s0  }
0xa: {  	s6 =	sor.u32 s0, s1;
	s1 =	rddreg [dreg:$0x3];
	_ =	strace $0x8000004A  }
0xb: {  	s13 =	sshrl.u32 s12, $0x1;
	s7 =	smul.u32 $0x2710, s6;
	s11 =	sshrl.u32 s8, $0x3  }
0xc: {  	s9 =	sadd.s32 s8, s9;
	s14 =	smul.u32 $0x138800, s6;
	s12 =	ssub.s32 s12, s13  }
0xd: {  	s15 =	sadd.s32 s8, s2;
	s30 =	smul.u32 $0x27100, s6;
	s8 =	sadd.s32 s29, s26  }
0xe: {  	s11 =	sadd.s32 s11, s5;
	s9 =	sshrl.u32 s9, $0x3;
	s13 =	sshll.u32 s8, $0x4  }
0xf: {  	s7 =	sshrl.u32 s7, $0x3;
	s9 =	sadd.s32 s9, s5;
	s4 =	sadd.s32 $0x64E00, s11  }
0x10: {  	s14 =	sshrl.u32 s14, $0x3;
	s13 =	sadd.s32 s10, s13;
	s7 =	sadd.s32 s7, s5  }
0x11: {  	s5 =	sor.u32 $0x1C03, s28;
	s31 =	sadd.s32 s10, s14;
	s9 =	sadd.s32 $0xE1E00, s9  }
0x12: {  	s14 =	sshrl.u32 s15, $0x3;
	s15 =	simm.s32 $0x3;
	s6 =	sadd.s32 $0xCC00, s7  }
0x13: {  	s7 =	sadd.s32 s10, s30;
	s8 =	sadd.s32 $0x500, s31;
	s10 =	smax.u32 s12, $0x1  }
0x14: {  	s12 =	sadd.s32 $0xF00, s13;
	s13 =	sadd.s32 $0xA00, s13;
	s11 =	sadd.s32 $0x26C00, s7  }
.LBB2_1:
0x15: {  	[spmem:s14], [sflag:s5] =	dma.local [hbm:s4], $0x2800  }
0x16: {  	_ =	swait.ge [sflag:s15], $0x2800  }
0x17: {  	[sflag:s15] =	ssyncset.done $0x0  }
0x18: {  	[sflag:s15] =	ssyncadd.s32 $0xFFFFD800  }
0x19: {  	[tilespmem:s3], [sflag:$0x3] =	stream.linear.gather [hbm4b:s6+s3], $0x2710, $0x38;
	[tilespmem:$0x1B710] =	vst v63  }
0x1a: {  	_ =	swait.ge [sflag:s15], $0x2710  }
0x1b: {  	[sflag:s15] =	ssyncset.done $0x0  }
0x1c: {  	[sflag:s15] =	ssyncadd.s32 $0xFFFFD8F0  }
0x1d: {  	[bflag:$0x0] =	sbarrier.arrive $0xFFFF  }
0x1e: {  	[tilespmem:s16], [sflag:$0x1] =	stream.linear.gather [hbm4b:s7+s3], $0x2800, $0x38;
	[tilespmem:$0x1B710] =	vst v63  }
0x1f: {  	_ = 	snop  }
0x20: {  	[tilespmem:s17], [sflag:$0x2] =	stream.linear.gather [hbm4b:s8+s3], $0x2800, $0x38;
	[tilespmem:$0x1B710] =	vst v63  }
0x21: {  	_ =	swait.ge [sflag:s18], $0x2800  }
0x22: {  	[sflag:s18] =	ssyncset.done $0x0  }
0x23: {  	s25 =	simm.s32 $0x0;
	[sflag:s18] =	ssyncadd.s32 $0xFFFFD800  }
0x24: {  	[spmem:s2] =	stream.indirect.scatter.add.f32 [tilespmem:s16], [sflag:$0x3], $0x80, s25, s19, $0xb8;
	[tilespmem:$0x1B710] =	vst v63  }
0x25: {  	_ =	swait.ge [sflag:s15], $0x2800  }
0x26: {  	[sflag:s15] =	ssyncset.done $0x0  }
0x27: {  	s31 =	sadd.s32 $0x0, s13;
	[sflag:s15] =	ssyncadd.s32 $0xFFFFD800  }
0x28: {  	[tilespmem:s16], [sflag:$0x1] =	stream.linear.gather [hbm4b:s31+s3], $0x2800, $0x38;
	[tilespmem:$0x1B710] =	vst v63  }
0x29: {  	_ =	swait.ge [sflag:s20], $0x2800  }
0x2a: {  	[sflag:s20] =	ssyncset.done $0x0  }
0x2b: {  	[sflag:s20] =	ssyncadd.s32 $0xFFFFD800  }
0x2c: {  	[spmem:s2] =	stream.indirect.scatter.add.f32 [tilespmem:s17], [sflag:$0x3], $0x80, s19, s19, $0xb8;
	[tilespmem:$0x1B710] =	vst v63  }
0x2d: {  	_ =	swait.ge [sflag:s15], $0x2800  }
0x2e: {  	s28 =	sadd.s32 $0x0, s12;
	[sflag:s15] =	ssyncset.done $0x0  }
0x2f: {  	s26 =	simm.s32 $0xF0;
	s25 =	simm.s32 $0xA00;
	[sflag:s15] =	ssyncadd.s32 $0xFFFFD800  }
.LBB2_2:
0x30: {  	[tilespmem:s17], [sflag:$0x2] =	stream.linear.gather [hbm4b:s28+s3], $0x2800, $0x38;
	[tilespmem:$0x1B710] =	vst v63  }
0x31: {  	s28 =	smov.u32 s25  }
0x32: {  	p0 =	sne.s32 s25, $0x25800;
	s25 =	sadd.s32 $0xA00, s25;
	_ =	swait.ge [sflag:s18], $0x2800  }
0x33: {  	[sflag:s18] =	ssyncset.done $0x0  }
0x34: {  	s29 =	sadd.s32 $0xFFFFFFB0, s26;
	[sflag:s18] =	ssyncadd.s32 $0xFFFFD800  }
0x35: {  	[spmem:s2] =	stream.indirect.scatter.add.f32 [tilespmem:s16], [sflag:$0x3], $0x80, s29, s19, $0xb8;
	[tilespmem:$0x1B710] =	vst v63  }
0x36: {  	_ =	swait.ge [sflag:s15], $0x2800  }
0x37: {  	[sflag:s15] =	ssyncset.done $0x0  }
0x38: {  	s29 =	sadd.s32 s28, s13;
	[sflag:s15] =	ssyncadd.s32 $0xFFFFD800  }
0x39: {  	[tilespmem:s16], [sflag:$0x1] =	stream.linear.gather [hbm4b:s29+s3], $0x2800, $0x38;
	[tilespmem:$0x1B710] =	vst v63  }
0x3a: {  	_ =	swait.ge [sflag:s20], $0x2800  }
0x3b: {  	[sflag:s20] =	ssyncset.done $0x0  }
.Ltmp0:
0x3c: {  	[sflag:s20] =	ssyncadd.s32 $0xFFFFD800;
	(pc) =	sbr.rel @p0 .LBB2_2-.Ltmp0, $4  }
0x3d: {  	[spmem:s2] =	stream.indirect.scatter.add.f32 [tilespmem:s17], [sflag:$0x3], $0x80, s26, s19, $0xb8;
	[tilespmem:$0x1B710] =	vst v63  }
0x3e: {  	_ =	swait.ge [sflag:s15], $0x2800  }
0x3f: {  	[sflag:s15] =	ssyncset.done $0x0  }
0x40: {  	s28 =	sadd.s32 s28, s12;
	s26 =	sadd.s32 $0xA0, s26;
	[sflag:s15] =	ssyncadd.s32 $0xFFFFD800  }
0x41: {  	[tilespmem:s17], [sflag:$0x2] =	stream.linear.gather [hbm4b:s28+s3], $0x2800, $0x38;
	[tilespmem:$0x1B710] =	vst v63  }
0x42: {  	_ =	swait.ge [sflag:s18], $0x2800  }
0x43: {  	[sflag:s18] =	ssyncset.done $0x0  }
0x44: {  	[sflag:s18] =	ssyncadd.s32 $0xFFFFD800  }
0x45: {  	[spmem:s2] =	stream.indirect.scatter.add.f32 [tilespmem:s16], [sflag:$0x3], $0x80, s21, s19, $0xb8;
	[tilespmem:$0x1B710] =	vst v63  }
0x46: {  	_ =	swait.ge [sflag:s15], $0x2800  }
0x47: {  	[sflag:s15] =	ssyncset.done $0x0  }
0x48: {  	[sflag:s15] =	ssyncadd.s32 $0xFFFFD800  }
0x49: {  	[tilespmem:s16], [sflag:$0x1] =	stream.linear.gather [hbm4b:s11+s3], $0x2800, $0x38;
	[tilespmem:$0x1B710] =	vst v63  }
0x4a: {  	_ =	swait.ge [sflag:s20], $0x2800  }
0x4b: {  	[sflag:s20] =	ssyncset.done $0x0  }
0x4c: {  	[sflag:s20] =	ssyncadd.s32 $0xFFFFD800  }
0x4d: {  	[spmem:s2] =	stream.indirect.scatter.add.f32 [tilespmem:s17], [sflag:$0x3], $0x80, s22, s19, $0xb8;
	[tilespmem:$0x1B710] =	vst v63  }
0x4e: {  	_ =	swait.ge [sflag:s15], $0x2800  }
0x4f: {  	[sflag:s15] =	ssyncset.done $0x0  }
0x50: {  	[sflag:s15] =	ssyncadd.s32 $0xFFFFD800  }
0x51: {  	_ =	swait.ge [sflag:s18], $0x2800  }
0x52: {  	[sflag:s18] =	ssyncset.done $0x0  }
0x53: {  	[sflag:s18] =	ssyncadd.s32 $0xFFFFD800  }
0x54: {  	[spmem:s2] =	stream.indirect.scatter.add.f32 [tilespmem:s16], [sflag:$0x3], $0x80, s23, s19, $0xb8;
	[tilespmem:$0x1B710] =	vst v63  }
0x55: {  	_ =	swait.ge [sflag:s15], $0x2800  }
0x56: {  	s24 =	sadd.s32 $0x1, s24;
	[sflag:s15] =	ssyncset.done $0x0  }
0x57: {  	p0 =	sne.s32 s24, s10;
	[sflag:s15] =	ssyncadd.s32 $0xFFFFD800  }
.Ltmp1:
0x58: {  	[bflag:$0x0] =	sbarrier.arrive $0xFFFF;
	(pc) =	sbr.rel @p0 .LBB2_1-.Ltmp1, $4  }
0x59: {  	[hbm:s9], [sflag:s5] =	dma.local [spmem:s14], $0x2800  }
0x5a: {  	_ =	swait.ge [sflag:s15], $0x2800  }
0x5b: {  	[sflag:s15] =	ssyncset.done $0x0  }
0x5c: {  	[sflag:s15] =	ssyncadd.s32 $0xFFFFD800  }
0x5d: {  	_ =	sfence.sel $0x180000  }
0x5e: {  	[bflag:$0x0] =	sbarrier.arrive $0xFFFF  }
0x5f: {  	p0 =	sne.s32 s0, $0x0;
	_ =	strace $0x9000004A  }
0x60: {  	s0 =	sadd.s32 @!p0 $0x100000, s1;
	[bflag:$0x2] =	sbarrier.arrive $0xFFFF  }
0x61: {  	[sflag:s0] =	ssyncadd.tile.s32 @!p0 $0x1;
	_ =	shalt  }
.Lfunc_end2:
_tile_overlayer_lowered:
.L_overlay_start_2:
0x62: {  	(tag) =	ssettag $0x2  }
0x63: {  	s0 =	rddreg [dreg:$0x0];
	s2 =	stileid.u32  }
0x64: {  	s1 =	rddreg [dreg:$0x1];
	p0 =	sne.s32 s2, $0x0  }
0x65: {  	s3 =	rddreg [dreg:$0x2];
	[bflag:$0x3] =	sbarrier.arrive $0xFFFF;
	s2 =	simm.s32 @!p0 $0x1C03  }
0x66: {  	[timem:s3], [sflag:s2] =	dma.local @!p0 [hbm:s0], s1  }
0x67: {  	s0 =	simm.s32 @!p0 $0x3  }
0x68: {  	_ =	swait.ge @!p0 [sflag:s0], s1  }
0x69: {  	s1 =	ssub.s32 @!p0 $0x0, s1;
	[sflag:s0] =	ssyncset.done @!p0 $0x0  }
0x6a: {  	[sflag:s0] =	ssyncadd.s32 @!p0 s1  }
0x6b: {  	[bflag:$0x3] =	sbarrier.arrive $0xFFFF  }
0x6c: {  	_ =	shalt  }

// kernel: kernel.7.cloned.1.call-start
scs
__scs_entry_jumppad:
0x0: {  	(pc) =	sbr.rel $0x88, $3  }
0x1: {  	(tag) =	ssettag $0x0;
	lr =	simm.s32 $0x1  }
0x2: {  	[smem:$0x3F8E] =	sst lr;
	_ =	strace $0xD0000000  }
0x3: {  	_ = 	snop  }
0x4: {  	_ = 	snop  }
0x5: {  	_ = 	snop  }
0x6: {  	_ = 	snop  }
0x7: {  	_ = 	snop  }
__scs_overlays_trampoline_lowered:
0x8: {  	[smem:$0x3F9D] =	sst s0  }
0x9: {  	[smem:$0x3F9E] =	sst s1  }
0xa: {  	[smem:$0x3F9F] =	sst s2  }
0xb: {  	[smem:$0x3FA0] =	sst s3  }
0xc: {  	[smem:$0x3FA1] =	sst s4  }
0xd: {  	[smem:$0x3FA2] =	sst s5  }
0xe: {  	[smem:$0x3FA3] =	sst s6  }
0xf: {  	[smem:$0x3FA4] =	sst s7  }
0x10: {  	[smem:$0x3FA5] =	sst s8  }
0x11: {  	[smem:$0x3FA6] =	sst s9;
	s0 =	simm.s32 @!p0 $0x0  }
0x12: {  	s1 =	sld [smem:$0x3F8C];
	s0 =	simm.s32 @p0 $0x1  }
0x13: {  	[smem:$0x3FA7] =	sst s0;
	s0 =	simm.s32 @!p1 $0x0  }
0x14: {  	s2 =	sld [smem:$0x3F8B];
	s0 =	simm.s32 @p1 $0x1  }
0x15: {  	[smem:$0x3FA8] =	sst s0;
	s0 =	simm.s32 @!p2 $0x0  }
0x16: {  	s3 =	sld [smem:$0x3FDB];
	s0 =	simm.s32 @p2 $0x1  }
0x17: {  	s4 =	simm.s32 $0x1BF5;
	[smem:$0x3FAA] =	sst s0  }
0x18: {  	s0 =	sld [smem:$0x3F8D];
	_ =	swait.ge [sflag:s4], $0x0  }
0x19: {  	s7 =	sld [smem:$0x3F8E]  }
0x1a: {  	s8 =	sadd.s32 $0xFFFFE003, lr  }
0x1b: {  	s9 =	sadd.s32 $0xFFFFFEF7, lr;
	s5 =	simm.s32 $0xFFFFFFFF;
	p2 =	slt.u32 s8, $0xFFFFF086  }
0x1c: {  	p1 =	slt.u32 s9, $0xF7A;
	s5 =	simm.s32 @!p2 $0x0  }
0x1d: {  	s5 =	simm.s32 @p1 $0x1;
	p0 =	seq.s32 s7, s2  }
0x1e: {  	s7 =	smul.u32 @!p0 $0xF7A, s2;
	p2 =	seq.s32 @!p0 s5, $0x0  }
0x1f: {  	s9 =	smul.u32 $0xF7A, s1;
	s8 =	simm.s32 @!p0 $0x1BF5;
	p2 =	por !p2, p0  }
0x20: {  	[sflag:s8] =	ssyncset.s32 @!p0 $0xFFFFF086;
	s6 =	sadd.s32 @!p0 s3, s7;
	s7 =	simm.s32 @!p0 $0x108  }
0x21: {  	s3 =	sadd.s32 s3, s9;
	s6 =	sadd.s32 @!p0 $0x88, s6;
	s7 =	simm.s32 @p2 $0x1082  }
0x22: {  	[simem:s7], [sflag:s8] =	dma.local @!p0 [hbm:s6], $0xF7A  }
0x23: {  	s9 =	sor.u32 $0xD0000000, s2;
	s6 =	simm.s32 $0x108;
	_ =	swait.ge @!p0 [sflag:s8], $0x0  }
0x24: {  	s3 =	sadd.s32 $0x88, s3;
	s6 =	simm.s32 @!p1 $0x1082;
	[sflag:s4] =	ssyncset.s32 $0xFFFFF086  }
0x25: {  	[simem:s6], [sflag:s4] =	dma.local [hbm:s3], $0xF7A  }
0x26: {  	[smem:$0x3F8E] =	sst s1;
	(tag) =	ssettag s2;
	_ =	strace s9  }
0x27: {  	s1 =	sld [smem:$0x3F9E]  }
0x28: {  	s2 =	sld [smem:$0x3F9F]  }
0x29: {  	s4 =	sld [smem:$0x3FA1]  }
0x2a: {  	p0 =	seq.s32 s5, $0x0;
	s5 =	sld [smem:$0x3FA2]  }
0x2b: {  	s6 =	sld [smem:$0x3FA3]  }
0x2c: {  	s7 =	sld [smem:$0x3FA4]  }
0x2d: {  	s3 =	simm.s32 $0x108;
	s8 =	sld [smem:$0x3FA5]  }
0x2e: {  	s3 =	simm.s32 @!p0 $0x1082;
	s9 =	sld [smem:$0x3FA6]  }
0x2f: {  	lr =	sadd.s32 s0, s3;
	s0 =	sld [smem:$0x3F9D]  }
0x30: {  	s3 =	sld [smem:$0x3FA0]  }
0x31: {  	[smem:$0x3FA9] =	sst s10  }
0x32: {  	s10 =	sld [smem:$0x3FA7];
	_ =	sdelay $0x3  }
0x33: {  	p0 =	seq.s32 s10, $0x1;
	s10 =	sld [smem:$0x3FA9];
	_ =	sdelay $0x3  }
0x34: {  	[smem:$0x3FA9] =	sst s10  }
0x35: {  	s10 =	sld [smem:$0x3FA8];
	_ =	sdelay $0x3  }
0x36: {  	p1 =	seq.s32 s10, $0x1;
	s10 =	sld [smem:$0x3FA9];
	_ =	sdelay $0x3  }
0x37: {  	[smem:$0x3FA9] =	sst s10  }
0x38: {  	s10 =	sld [smem:$0x3FAA]  }
0x39: {  	_ = 	snop;
	(pc) =	sbr.ind lr, $3  }
0x3a: {  	_ = 	snop  }
0x3b: {  	_ = 	snop  }
0x3c: {  	p2 =	seq.s32 s10, $0x1;
	s10 =	sld [smem:$0x3FA9]  }
0x3d: {  	_ =	shalt  }
0x3e: {  	_ =	shalt  }
0x3f: {  	_ =	shalt  }
0x40: {  	_ =	shalt  }
0x41: {  	_ =	shalt  }
0x42: {  	_ =	shalt  }
0x43: {  	_ =	shalt  }
0x44: {  	_ =	shalt  }
0x45: {  	_ =	shalt  }
0x46: {  	_ =	shalt  }
0x47: {  	_ =	shalt  }
0x48: {  	_ =	shalt  }
0x49: {  	_ =	shalt  }
0x4a: {  	_ =	shalt  }
0x4b: {  	_ =	shalt  }
0x4c: {  	_ =	shalt  }
0x4d: {  	_ =	shalt  }
0x4e: {  	_ =	shalt  }
0x4f: {  	_ =	shalt  }
0x50: {  	_ =	shalt  }
0x51: {  	_ =	shalt  }
0x52: {  	_ =	shalt  }
0x53: {  	_ =	shalt  }
0x54: {  	_ =	shalt  }
0x55: {  	_ =	shalt  }
0x56: {  	_ =	shalt  }
0x57: {  	_ =	shalt  }
0x58: {  	_ =	shalt  }
0x59: {  	_ =	shalt  }
0x5a: {  	_ =	shalt  }
0x5b: {  	_ =	shalt  }
0x5c: {  	_ =	shalt  }
0x5d: {  	_ =	shalt  }
0x5e: {  	_ =	shalt  }
0x5f: {  	_ =	shalt  }
0x60: {  	_ =	shalt  }
0x61: {  	_ =	shalt  }
0x62: {  	_ =	shalt  }
0x63: {  	_ =	shalt  }
0x64: {  	_ =	shalt  }
0x65: {  	_ =	shalt  }
0x66: {  	_ =	shalt  }
0x67: {  	_ =	shalt  }
0x68: {  	_ =	shalt  }
0x69: {  	_ =	shalt  }
0x6a: {  	_ =	shalt  }
0x6b: {  	_ =	shalt  }
0x6c: {  	_ =	shalt  }
0x6d: {  	_ =	shalt  }
0x6e: {  	_ =	shalt  }
0x6f: {  	_ =	shalt  }
0x70: {  	_ =	shalt  }
0x71: {  	_ =	shalt  }
0x72: {  	_ =	shalt  }
0x73: {  	_ =	shalt  }
0x74: {  	_ =	shalt  }
0x75: {  	_ =	shalt  }
0x76: {  	_ =	shalt  }
0x77: {  	_ =	shalt  }
0x78: {  	_ =	shalt  }
0x79: {  	_ =	shalt  }
0x7a: {  	_ =	shalt  }
0x7b: {  	_ =	shalt  }
0x7c: {  	_ =	shalt  }
0x7d: {  	_ =	shalt  }
0x7e: {  	_ =	shalt  }
0x7f: {  	_ =	shalt  }
0x80: {  	_ =	shalt  }
0x81: {  	_ =	shalt  }
0x82: {  	_ =	shalt  }
0x83: {  	_ =	shalt  }
0x84: {  	_ =	shalt  }
0x85: {  	_ =	shalt  }
0x86: {  	_ =	shalt  }
0x87: {  	_ =	shalt  }
.Lfunc_end0:
.L_simem_size_0:
called_computation_lowered:
.L_overlay_start_0:
0x88: {  	s2 =	sld [smem:$0x3FD9]  }
0x89: {  	s3 =	sld [smem:$0x3FFE];
	_ =	sdelay $0x1  }
0x8a: {  	s1 =	srdreg.scid  }
0x8b: {  	s0 =	sand.u32 $0x1, s1  }
0x8c: {  	s14 =	sshll.u32 s0, $0xA;
	s2 =	sadd.s32 s3, s2  }
0x8d: {  	s2 =	sadd.s32 s2, s14  }
0x8e: {  	[smem:$0x3FB5] =	sst s2  }
0x8f: {  	_ = 	snop  }
0x90: {  	s2 =	sld [smem:$0x3FD0];
	_ =	sdelay $0x2  }
0x91: {  	s15 =	simm.s32 $0xB;
	s4 =	simm.s32 $0x10  }
0x92: {  	[smem:s4], [sflag:s15] =	dma.local [hbm:s2], $0x1  }
0x93: {  	_ =	swait.eq [sflag:s15], $0x1  }
0x94: {  	[sflag:s15] =	ssyncset.done $0x0  }
0x95: {  	s16 =	sld [smem:$0x10];
	[sflag:s15] =	ssyncadd.s32 $0xFFFFFFFF  }
0x96: {  	s17 =	sld [smem:$0x11];
	(tm) =	ssettm $0x1  }
0x97: {  	s18 =	sld [smem:$0x3FFB];
	_ =	sdelay $0x3  }
0x98: {  	_ =	strace s18  }
0x99: {  	s4 =	sld [smem:$0x3FFC];
	_ =	sdelay $0x3  }
0x9a: {  	_ =	strace s4  }
0x9b: {  	s4 =	sld [smem:$0x3FFD];
	_ =	sdelay $0x3  }
0x9c: {  	_ =	strace s4  }
0x9d: {  	_ =	strace $0x8FFFFFFF  }
0x9e: {  	s19 =	sld [smem:$0x3FDB];
	_ =	sdelay $0x1  }
0x9f: {  	s5 =	simm.s32 $_scs_section_size  }
0xa0: {  	s6 =	simm.s32 $_size__tile_overlayer_lowered;
	s7 =	simm.s32 $_tile_overlayer_lowered  }
0xa1: {  	s22 =	simm.s32 $0x1BFF;
	s21 =	sshll.u32 s7, $0x1;
	s4 =	sadd.s32 s5, s19  }
0xa2: {  	s8 =	simm.s32 $0x0;
	s20 =	sshll.u32 s6, $0x1;
	s6 =	sadd.s32 s21, s4  }
0xa3: {  	[timem:s8], [sflag:s22] =	dma.local [hbm:s6], s20  }
0xa4: {  	_ =	swait.ge [sflag:s22], s20  }
0xa5: {  	s5 =	ssub.s32 $0x0, s20;
	[sflag:s22] =	ssyncset.done $0x0  }
0xa6: {  	[sflag:s22] =	ssyncadd.s32 s5;
	_ =	sdelay $0x1  }
0xa7: {  	s23 =	simm.s32 $0x1B8B  }
0xa8: {  	_ =	swait.ge [sflag:s23], $0x1  }
0xa9: {  	[sflag:s23] =	ssyncset.done $0x0  }
0xaa: {  	s25 =	simm.s32 $0x1B8E;
	s24 =	sld [smem:$0x3FFE];
	[sflag:s23] =	ssyncadd.s32 $0xFFFFFFFF  }
0xab: {  	s26 =	simm.s32 $execute0_lowered;
	[smem:$0x3FD2] =	sst s25  }
0xac: {  	s6 =	sshll.u32 s26, $0x1;
	_ =	strace $0x80000046;
	[dreg:$0x1] =	wrdreg $0xFFFFFFFF  }
0xad: {  	s28 =	simm.s32 $_size_execute0_lowered;
	s4 =	sadd.s32 s4, s6;
	[dreg:$0x0] =	wrdreg $0x0  }
0xae: {  	s6 =	sshll.u32 s28, $0x1;
	[dreg:$0x2] =	wrdreg s4  }
0xaf: {  	[dreg:$0x3] =	wrdreg s6  }
0xb0: {  	[dreg:$0x4] =	wrdreg $0xC0  }
0xb1: {  	_ =	task [dreg:s8], $0x5FFFF  }
0xb2: {  	[dreg:$0x1] =	wrdreg $0xFFFFFFFF  }
0xb3: {  	[dreg:$0x0] =	wrdreg $0x60  }
0xb4: {  	[dreg:$0x2] =	wrdreg s16  }
0xb5: {  	[dreg:$0x3] =	wrdreg s24  }
0xb6: {  	[dreg:$0x4] =	wrdreg s17  }
0xb7: {  	[dreg:$0x5] =	wrdreg $0x8CA00  }
0xb8: {  	[dreg:$0x6] =	wrdreg $0x1CCA00  }
0xb9: {  	[dreg:$0x7] =	wrdreg $0x9  }
0xba: {  	_ =	task.clear_ibuf [dreg:s8], $0x8FFFF;
	_ =	strace $0x90000046  }
0xbb: {  	s29 =	simm.s32 $0x9;
	_ =	strace $0x80000048  }
0xbc: {  	_ =	swait.ge [sflag:s29], $0x1  }
0xbd: {  	[sflag:s29] =	ssyncadd.s32 $0xFFFFFFFF  }
0xbe: {  	_ =	strace $0x90000048  }
0xbf: {  	_ =	sfence  }
0xc0: {  	s30 =	sld [smem:$0x0];
	_ =	sdelay $0x2  }
0xc1: {  	s31 =	sshll.u32 s1, $0xD;
	s1 =	sshrl.u32 s1, $0x2  }
0xc2: {  	s3 =	sand.u32 $0x4000, s31;
	s1 =	sadd.s32 s1, s30  }
0xc3: {  	s0 =	sor.u32 s3, s0;
	s1 =	sshll.u32 s1, $0x11  }
0xc4: {  	s0 =	sor.u32 s1, s0  }
0xc5: {  	s0 =	sadd.s32 $0x8F2B, s0  }
0xc6: {  	[sflag:s0] =	ssyncadd.remote.s32 $0x1  }
0xc7: {  	_ =	sfence.sel $0xFFFF  }
0xc8: {  	[dreg:$0x0] =	wrdreg $0xFFFFFFFF;
	(pc) =	sbr.abs _section_cstart, $3  }
0xc9: {  	[dreg:$0x1] =	wrdreg $0xFFFFFFFF  }
0xca: {  	_ =	task.clear_ibuf [dreg:s8], $0x2FFFF;
	_ =	strace $0x9FFFFFFF  }
0xcb: {  	(tm) =	ssettm $0x7FFFFFFF  }
tec
execute0_lowered:
.L_overlay_start_1:
0x0: {  	(tag) =	ssettag $0x1  }
0x1: {  	s1 =	rddreg [dreg:$0x0]  }
0x2: {  	s0 =	rddreg [dreg:$0x1]  }
0x3: {  	s3 =	rddreg [dreg:$0x2]  }
0x4: {  	s2 =	rddreg [dreg:$0x3]  }
0x5: {  	s4 =	rddreg [dreg:$0x4];
	s17 =	simm.s32 $0x0  }
0x6: {  	s8 =	stileid.u32;
	s5 =	srdreg.scid;
	s18 =	simm.s32 $0x2  }
0x7: {  	s20 =	simm.s32 $0x7D0;
	s21 =	simm.s32 $0x50;
	s22 =	simm.s32 $0xFA0  }
0x8: {  	[smem:$0x7FF] =	sst s17;
	s10 =	smul.u32 $0x14000, s8;
	s5 =	sand.u32 $0x1, s5  }
0x9: {  	s6 =	sadd.s32 $0x16A00, s0;
	s7 =	sadd.s32 $0x3DC00, s0;
	s9 =	sadd.s32 $0xCC00, s0  }
0xa: {  	s13 =	smul.u32 $0x2800, s8;
	s16 =	sshll.u32 s8, $0x6;
	_ =	strace $0x80000047  }
0xb: {  	s11 =	smul.u32 $0x140000, s5;
	[dreg:$0x7] =	wrdreg s9;
	s9 =	sadd.s32 $0x2E00, s0  }
0xc: {  	s15 =	ssub.s32 $0x2, s5;
	s25 =	sshll.u32 s5, $0x4;
	s5 =	smul.u32 $0x28000, s5  }
0xd: {  	s12 =	sshrl.u32 s10, $0x3;
	s14 =	sshrl.u32 s13, $0x3;
	s24 =	sshrl.u32 s15, $0x1  }
0xe: {  	s28 =	sadd.s32 s13, s4;
	s12 =	sadd.s32 s12, s0;
	s11 =	sadd.s32 s10, s11  }
0xf: {  	s14 =	sadd.s32 s14, s0;
	s10 =	sadd.s32 s10, s2;
	s5 =	sadd.s32 s13, s5  }
0x10: {  	s11 =	sshrl.u32 s11, $0x3;
	s26 =	sadd.s32 $0x64E00, s12;
	s29 =	sadd.s32 $0x8CE00, s14  }
0x11: {  	s5 =	sshrl.u32 s5, $0x3;
	s0 =	sadd.s32 s11, s0;
	[dreg:$0x8] =	wrdreg s26  }
0x12: {  	s11 =	ssub.s32 s15, s24;
	[dreg:$0xa] =	wrdreg s29;
	s30 =	sadd.s32 s3, s5  }
0x13: {  	s15 =	sor.u32 s8, s25;
	s8 =	sor.u32 $0x1C02, s16;
	[dreg:$0xc] =	wrdreg s30  }
.Ltmp0:
0x14: {  	s3 =	sshrl.u32 s10, $0x3;
	[dreg:$0x9] =	wrdreg s8;
	(pc) =	sbr.rel .LBB2_1-.Ltmp0, $4  }
0x15: {  	s23 =	simm.s32 $0x37A0;
	s5 =	sshrl.u32 s28, $0x3;
	[dreg:$0xe] =	wrdreg s3  }
0x16: {  	vm0 =	vmmov $0x1;
	vm1 =	vcmask $0x320;
	vm2 =	vcmask $0x720;
	s24 =	simm.s32 $0x5FA0;
	s0 =	sadd.s32 $0x91E00, s0;
	[dreg:$0xf] =	wrdreg s5  }
0x17: {  	vm3 =	vcmask $0xB20;
	vm4 =	vcmask $0xF20;
	vm5 =	vcmask $0x1320;
	s25 =	simm.s32 $0x1;
	s31 =	smax.u32 s11, $0x1;
	[dreg:$0xb] =	wrdreg s0  }
0x18: {  	vm6 =	vcmask $0x1720;
	vm7 =	vcmask $0x1B20;
	v16 =	vlaneseq.u32;
	s26 =	simm.s32 $0x87A0;
	s13 =	smul.u32 $0x2710, s15;
	[dreg:$0xd] =	wrdreg s31  }
.LBB2_9:
0x19: {  	[bflag:$0x0] =	sbarrier.arrive $0xFFFF  }
0x1a: {  	s8 =	rddreg [dreg:$0x9]  }
0x1b: {  	s0 =	rddreg [dreg:$0xb]  }
0x1c: {  	s3 =	rddreg [dreg:$0xe]  }
0x1d: {  	[hbm:s0], [sflag:s8] =	dma.local [spmem:s3], $0x2800  }
0x1e: {  	_ =	swait.ge [sflag:s18], $0x2800  }
0x1f: {  	[sflag:s18] =	ssyncset.done $0x0;
	s30 =	rddreg [dreg:$0xc]  }
0x20: {  	s5 =	rddreg [dreg:$0xf];
	[sflag:s18] =	ssyncadd.s32 $0xFFFFD800  }
0x21: {  	[hbm:s30], [sflag:s8] =	dma.local [spmem:s5], $0x500  }
0x22: {  	_ =	swait.ge [sflag:s18], $0x500  }
0x23: {  	s17 =	rddreg [dreg:$0x6]  }
0x24: {  	s31 =	rddreg [dreg:$0xd];
	s17 =	sadd.s32 $0x1, s17  }
0x25: {  	p0 =	sne.s32 s17, s31  }
.Ltmp1:
0x26: {  	_ = 	snop;
	(pc) =	sbr.rel @!p0 .LBB2_10-.Ltmp1, $3  }
0x27: {  	_ =	sdelay $0x1  }
0x28: {  	[sflag:s18] =	ssyncset.done $0x0  }
0x29: {  	[sflag:s18] =	ssyncadd.s32 $0xFFFFFB00  }
.LBB2_1:
0x2a: {  	[dreg:$0x6] =	wrdreg s17  }
0x2b: {  	s0 =	rddreg [dreg:$0x8]  }
0x2c: {  	[spmem:s3], [sflag:s8] =	dma.local [hbm:s0], $0x2800  }
0x2d: {  	_ =	swait.ge [sflag:s18], $0x2800  }
0x2e: {  	[sflag:s18] =	ssyncset.done $0x0  }
0x2f: {  	s31 =	rddreg [dreg:$0xa];
	[sflag:s18] =	ssyncadd.s32 $0xFFFFD800  }
0x30: {  	[spmem:s5], [sflag:s8] =	dma.local [hbm:s31], $0x500  }
.Ltmp2:
0x31: {  	_ =	swait.ge [sflag:s18], $0x500;
	(pc) =	sbr.rel .LBB2_2-.Ltmp2, $4  }
0x32: {  	[sflag:s18] =	ssyncset.done $0x0  }
0x33: {  	[sflag:s18] =	ssyncadd.s32 $0xFFFFFB00  }
0x34: {  	[bflag:$0x0] =	sbarrier.arrive $0xFFFF  }
0x35: {  	s29 =	simm.s32 $0x0  }
.LBB2_6:
0x36: {  	s0 =	simm.s32 $0xF50  }
0x37: {  	[spmem:s2] =	stream.indirect.scatter.add.f32 [tilespmem:s24], [sflag:$0x2], $0x80, s0, s21, $0xb8;
	[tilespmem:$0x1F4A0] =	vst v63  }
0x38: {  	_ =	swait.ge [sflag:s18], $0x2800  }
0x39: {  	[sflag:s18] =	ssyncset.done $0x0  }
0x3a: {  	[sflag:s18] =	ssyncadd.s32 $0xFFFFD800  }
0x3b: {  	[spmem:s4] =	stream.indirect.scatter.add.f32 [tilespmem:s26], [sflag:$0x2], $0x10, s0, s21, $0xb8;
	[tilespmem:$0x1F4A0] =	vst v63  }
0x3c: {  	_ =	swait.ge [sflag:s18], $0x500  }
0x3d: {  	[sflag:s18] =	ssyncset.done $0x0  }
0x3e: {  	[sflag:s18] =	ssyncadd.s32 $0xFFFFFB00  }
.LBB2_8:
0x3f: {  	s29 =	sadd.s32 $0x1, s29  }
0x40: {  	p0 =	sne.s32 s29, $0x5  }
.Ltmp3:
0x41: {  	_ = 	snop;
	(pc) =	sbr.rel @!p0 .LBB2_9-.Ltmp3, $1  }
0x42: {  	_ =	sdelay $0x3  }
.LBB2_2:
0x43: {  	s0 =	smul.u32 $0x7D0, s29;
	_ =	sdelay $0x1  }
0x44: {  	s0 =	sadd.s32 s13, s0  }
0x45: {  	s3 =	rddreg [dreg:$0x7];
	s0 =	sshrl.u32 s0, $0x3  }
0x46: {  	s30 =	simm.s32 $0x0;
	s3 =	sadd.s32 s3, s0  }
0x47: {  	[tilespmem:s30], [sflag:$0x2] =	stream.linear.gather [hbm4b:s3+s30], $0x7D0, $0x38;
	[tilespmem:$0x1F4A0] =	vst v63  }
0x48: {  	_ =	swait.ge [sflag:s18], $0x7D0  }
0x49: {  	[sflag:s18] =	ssyncset.done $0x0  }
0x4a: {  	s0 =	sadd.s32 s9, s0;
	[sflag:s18] =	ssyncadd.s32 $0xFFFFF830  }
0x4b: {  	[tilespmem:s20], [sflag:$0x2] =	stream.linear.gather [hbm4b:s0+s30], $0x7D0, $0x38;
	[tilespmem:$0x1F4A0] =	vst v63  }
0x4c: {  	_ =	swait.ge [sflag:s18], $0x7D0  }
0x4d: {  	[sflag:s18] =	ssyncset.done $0x0  }
0x4e: {  	[sflag:s18] =	ssyncadd.s32 $0xFFFFF830  }
0x4f: {  	[tilespmem:s22], [sflag:$0x1] =	stream.indirect.gather [hbm4b:s1+s21], $0x80, s20, s21, $0xb8;
	[tilespmem:$0x1F4A0] =	vst v63  }
0x50: {  	_ = 	snop  }
0x51: {  	[tilespmem:s23], [sflag:$0x1] =	stream.indirect.gather [hbm4b:s6+s21], $0x80, s30, s21, $0xb8;
	[tilespmem:$0x1F4A0] =	vst v63  }
0x52: {  	_ = 	snop  }
0x53: {  	[tilespmem:s24], [sflag:$0x1] =	stream.indirect.gather [hbm4b:s7+s21], $0x80, s30, s21, $0xb8;
	[tilespmem:$0x1F4A0] =	vst v63  }
.LBB2_3:
0x54: {  	_ =	swait.ge [sflag:s25], $0x2800  }
0x55: {  	[sflag:s25] =	ssyncset.done $0x0  }
0x56: {  	[sflag:s25] =	ssyncadd.s32 $0xFFFFD800  }
0x57: {  	_ =	swait.ge [sflag:s25], $0x2800  }
0x58: {  	[sflag:s25] =	ssyncset.done $0x0  }
0x59: {  	[sflag:s25] =	ssyncadd.s32 $0xFFFFD800  }
0x5a: {  	_ =	swait.ge [sflag:s25], $0x2800  }
0x5b: {  	[sflag:s25] =	ssyncset.done $0x0  }
0x5c: {  	s31 =	simm.s32 $0x0;
	[sflag:s25] =	ssyncadd.s32 $0xFFFFD800  }
.LBB2_4:
0x5d: {  	s3 =	sshll.u32 s31, $0x7  }
0x5e: {  	v1 =	vld [tilespmem:s3+$0xFA0]  }
0x5f: {  	v2 =	vld [tilespmem:s3+$0x37A0]  }
0x60: {  	v3 =	vld [tilespmem:s3+$0xFB0]  }
0x61: {  	v4 =	vld [tilespmem:s3+$0x37B0]  }
0x62: {  	v5 =	vld [tilespmem:s3+$0xFC0]  }
0x63: {  	v6 =	vld [tilespmem:s3+$0x37C0]  }
0x64: {  	v7 =	vld [tilespmem:s3+$0xFD0]  }
0x65: {  	v38 =	vld [tilespmem:s3+$0x37D0]  }
0x66: {  	v42 =	vld [tilespmem:s3+$0xFE0]  }
0x67: {  	v43 =	vld [tilespmem:s3+$0x37E0]  }
0x68: {  	v44 =	vld [tilespmem:s3+$0xFF0]  }
0x69: {  	v45 =	vld [tilespmem:s3+$0x37F0]  }
0x6a: {  	v46 =	vld [tilespmem:s3+$0x1000]  }
0x6b: {  	v47 =	vld [tilespmem:s3+$0x3800];
	v1 =	vmul.f32 v2, v1  }
0x6c: {  	s14 =	sor.u32 $0x1, s31;
	v48 =	vld [tilespmem:s3+$0x1010]  }
0x6d: {  	v9 =	vld [tilespmem:s3+$0x3810];
	s0 =	sshll.u32 s14, $0x7;
	v39 =	vmul.f32 v4, v3;
	(xrf2) =	vadd.scan.msk.f32 $0xffff, v1  }
0x6e: {  	v49 =	vld [tilespmem:s0+$0xFA0];
	v40 =	vmul.f32 v6, v5  }
0x6f: {  	v10 =	vld [tilespmem:s0+$0x37A0];
	v41 =	vmul.f32 v38, v7;
	(xrf2) =	vadd.scan.msk.f32 $0xffff, v39  }
0x70: {  	v12 =	vld [tilespmem:s0+$0xFB0];
	(xrf2) =	vadd.scan.msk.f32 $0xffff, v40  }
0x71: {  	v51 =	vld [tilespmem:s0+$0x37B0];
	v2 =	vmul.f32 v43, v42;
	(xrf2) =	vadd.scan.msk.f32 $0xffff, v41  }
0x72: {  	v53 =	vld [tilespmem:s0+$0xFC0];
	v1 =	vmul.f32 v45, v44  }
0x73: {  	v54 =	vld [tilespmem:s0+$0x37C0];
	(xrf2) =	vadd.scan.msk.f32 $0xffff, v2  }
0x74: {  	v55 =	vld [tilespmem:s0+$0xFD0];
	(xrf2) =	vadd.scan.msk.f32 $0xffff, v1  }
0x75: {  	v56 =	vld [tilespmem:s0+$0x37D0];
	v5 =	vmul.f32 v47, v46  }
0x76: {  	v57 =	vld [tilespmem:s0+$0xFE0];
	v7 =	vmul.f32 v9, v48  }
0x77: {  	v59 =	vld [tilespmem:s0+$0x37E0];
	v58 =	vmul.f32 v10, v49;
	(xrf2) =	vadd.scan.msk.f32 $0xffff, v5;
	v8, _, _ =	vpop (xrf2)  }
0x78: {  	v60 =	vld [tilespmem:s0+$0xFF0];
	v3 =	vmul.f32 v51, v12;
	(xrf2) =	vadd.scan.msk.f32 $0xffff, v7;
	(v2sf) =	vpush v8, $0xF  }
0x79: {  	v61 =	vld [tilespmem:s0+$0x37F0];
	(xrf2) =	vadd.scan.msk.f32 $0xffff, v58;
	v11, _, _ =	vpop (xrf2)  }
0x7a: {  	v2 =	vmul.f32 v54, v53;
	(xrf2) =	vadd.scan.msk.f32 $0xffff, v3;
	(v2sf) =	vpush v11, $0xF;
	v50, _, _ =	vpop (xrf2)  }
0x7b: {  	v1 =	vmul.f32 v56, v55;
	(v2sf) =	vpush v50, $0xF;
	v52, _, _ =	vpop (xrf2)  }
0x7c: {  	v62 =	vld [tilespmem:s0+$0x1000];
	v9 =	vmul.f32 v59, v57;
	(xrf2) =	vadd.scan.msk.f32 $0xffff, v2;
	(v2sf) =	vpush v52, $0xF  }
0x7d: {  	v10 =	vld [tilespmem:s0+$0x3800];
	(xrf2) =	vadd.scan.msk.f32 $0xffff, v1;
	v63, _, _ =	vpop (xrf2)  }
0x7e: {  	v12 =	vmul.f32 v61, v60;
	(xrf2) =	vadd.scan.msk.f32 $0xffff, v9;
	(v2sf) =	vpush v63, $0xF;
	v11, _, _ =	vpop (xrf2)  }
0x7f: {  	(v2sf) =	vpush v11, $0xF  }
0x80: {  	(xrf2) =	vadd.scan.msk.f32 $0xffff, v12  }
0x81: {  	v20, _, _ =	vpop (xrf2)  }
0x82: {  	v3 =	vmul.f32 v10, v62;
	(v2sf) =	vpush v20, $0xF;
	v21, _, _ =	vpop (xrf2)  }
0x83: {  	(v2sf) =	vpush v21, $0xF;
	v23, _, _ =	vpop (xrf2)  }
0x84: {  	(v2sf) =	vpush v23, $0xF;
	v25, _, _ =	vpop (xrf2);
	(xrf2) =	vadd.scan.msk.f32 $0xffff, v3  }
0x85: {  	(v2sf) =	vpush v25, $0xF  }
0x86: {  	v31, _, _ =	vpop (xrf2)  }
0x87: {  	(v2sf) =	vpush v31, $0xF;
	v33, _, _ =	vpop (xrf2);
	s5 =	spop (v2sf)  }
0x88: {  	(v2sf) =	vpush v33, $0xF;
	v34, _, _ =	vpop (xrf2);
	s5 =	smul.f32 $2.500000000e-01, s5  }
0x89: {  	(v2sf) =	vpush v34, $0xF;
	s17 =	spop (v2sf)  }
0x8a: {  	v35, _, _ =	vpop (xrf2);
	s10 =	spop (v2sf);
	v13 =	vmov s5;
	s5 =	smul.f32 $2.500000000e-01, s17  }
0x8b: {  	(v2sf) =	vpush v35, $0xF;
	s10 =	smul.f32 $2.500000000e-01, s10;
	s11 =	spop (v2sf)  }
0x8c: {  	v14 =	vmul.f32 $1.442695020e+00, v13;
	s19 =	smul.f32 $2.500000000e-01, s11;
	v22 =	vmov s5  }
0x8d: {  	s28 =	spop (v2sf);
	v24 =	vmov s10;
	v4 =	vmul.f32 $1.442695020e+00, v22  }
0x8e: {  	v39, _, _ =	vpop (xrf2);
	s5 =	smul.f32 $2.500000000e-01, s28;
	s8 =	spop (v2sf);
	v1 =	vbroadcast v14, $0x0;
	v26 =	vmul.f32 $1.442695020e+00, v24;
	v27 =	vmov s19  }
0x8f: {  	(v2sf) =	vpush v39, $0xF;
	s10 =	smul.f32 $2.500000000e-01, s8;
	v29 =	vmul.f32 $1.442695020e+00, v27;
	v28 =	vbroadcast v4, $0x0  }
0x90: {  	v42 =	vmov s5;
	(erf) = vpow2.f32 v1;
	v30 =	vbroadcast v26, $0x0  }
0x91: {  	v6 =	vmul.f32 $1.442695020e+00, v42;
	v44 =	vmov s10;
	s10 =	spop (v2sf);
	v32 =	vbroadcast v29, $0x0  }
0x92: {  	v8 =	vmul.f32 $1.442695020e+00, v44;
	s5 =	smul.f32 $2.500000000e-01, s10;
	s11 =	spop (v2sf);
	(erf) = vpow2.f32 v28  }
0x93: {  	v6 =	vbroadcast v6, $0x0;
	s10 =	smul.f32 $2.500000000e-01, s11;
	s12 =	spop (v2sf);
	(erf) = vpow2.f32 v30  }
0x94: {  	v8 =	vbroadcast v8, $0x0;
	v47 =	vmov s5;
	s15 =	smul.f32 $2.500000000e-01, s12;
	s16 =	spop (v2sf);
	(erf) = vpow2.f32 v32  }
0x95: {  	v48 =	vmul.f32 $1.442695020e+00, v47;
	v49 =	vmov s10;
	s17 =	smul.f32 $2.500000000e-01, s16;
	(erf) = vpow2.f32 v6  }
0x96: {  	v36 =	vld [tilespmem:s3+$0x5FA0];
	s19 =	spop (v2sf);
	v50 =	vmul.f32 $1.442695020e+00, v49;
	v51 =	vmov s15;
	(erf) = vpow2.f32 v8  }
0x97: {  	s5 =	smul.f32 $2.500000000e-01, s19;
	s28 =	spop (v2sf);
	v6 =	vbroadcast v48, $0x0;
	v11 =	vmul.f32 $1.442695020e+00, v51;
	v52 =	vmov s17  }
0x98: {  	s10 =	smul.f32 $2.500000000e-01, s28;
	s8 =	spop (v2sf);
	v8 =	vbroadcast v50, $0x0;
	v12 =	vmul.f32 $1.442695020e+00, v52  }
0x99: {  	v55 =	vmov s5;
	s12 =	smul.f32 $2.500000000e-01, s8;
	(erf) = vpow2.f32 v6;
	v53 =	vbroadcast v11, $0x0  }
0x9a: {  	v37 =	vld [tilespmem:s3+$0x5FB0];
	s15 =	spop (v2sf);
	v56 =	vmul.f32 $1.442695020e+00, v55;
	v57 =	vmov s10;
	v41 =	vpop (erf);
	v54 =	vbroadcast v12, $0x0  }
0x9b: {  	v38 =	vld [tilespmem:s3+$0x5FC0];
	s16 =	smul.f32 $2.500000000e-01, s15;
	v59 =	vmul.f32 $1.442695020e+00, v57;
	v60 =	vmov s12;
	v1 =	vmul.f32 v41, v36  }
0x9c: {  	v6 =	vbroadcast v56, $0x0;
	v11 =	vmul.f32 $1.442695020e+00, v60  }
0x9d: {  	v40 =	vld [tilespmem:s3+$0x5FD0];
	v13 =	vmov s16;
	v43 =	vpop (erf);
	(erf) = vpow2.f32 v8;
	v8 =	vbroadcast v59, $0x0  }
0x9e: {  	v13 =	vmul.f32 $1.442695020e+00, v13;
	(erf) = vpow2.f32 v53  }
0x9f: {  	v58 =	vld [tilespmem:s3+$0x5FE0];
	s19 =	sshll.u32 s31, $0x4;
	s17 =	spop (v2sf);
	v2 =	vmul.f32 v43, v37;
	v45 =	vpop (erf);
	v61 =	vbroadcast v11, $0x0  }
0xa0: {  	v14 =	vld [tilespmem:s3+$0x5FF0];
	v28 =	vor.u32 s19, v16;
	s5 =	smul.f32 $2.500000000e-01, s17;
	v3 =	vmul.f32 v45, v38;
	(erf) = vpow2.f32 v54  }
0xa1: {  	v15 =	vld [tilespmem:s3+$0x6000];
	v4 =	vnsel vm0, $0x0, v41;
	v46 =	vpop (erf);
	v21 =	vbroadcast v13, $0x0;
	(erf) = vpow2.f32 v6  }
0xa2: {  	v20 =	vld [tilespmem:s3+$0x6010];
	[tilespmem:s3+$0x5FA0] =	vst v1;
	v5 =	vmul.f32 v46, v40;
	v63 =	vpop (erf);
	v23 =	vmov s5;
	(erf) = vpow2.f32 v8  }
0xa3: {  	v62 =	vsel vm1, v4, v43;
	[tilespmem:s3+$0x5FB0] =	vst v2;
	v6 =	vmul.f32 $1.442695020e+00, v23;
	(erf) = vpow2.f32 v61  }
0xa4: {  	v25 =	vld [tilespmem:s0+$0x5FA0];
	v1 =	vsel vm2, v62, v45;
	v22 =	vmul.f32 v63, v58;
	[tilespmem:s3+$0x5FC0] =	vst v3;
	v24 =	vpop (erf);
	(erf) = vpow2.f32 v21  }
0xa5: {  	v29 =	vld [tilespmem:s0+$0x5FB0];
	v1 =	vsel vm3, v1, v46;
	[tilespmem:s3+$0x5FD0] =	vst v5;
	v26 =	vmul.f32 v24, v14;
	v27 =	vpop (erf);
	v6 =	vbroadcast v6, $0x0  }
0xa6: {  	v32 =	vld [tilespmem:s0+$0x5FC0];
	v1 =	vsel vm4, v1, v63;
	[tilespmem:s3+$0x5FE0] =	vst v22;
	v30 =	vmul.f32 v27, v15;
	v31 =	vpop (erf)  }
0xa7: {  	v34 =	vld [tilespmem:s0+$0x5FD0];
	v1 =	vsel vm5, v1, v24;
	[tilespmem:s3+$0x5FF0] =	vst v26;
	v33 =	vmul.f32 v31, v20;
	v8 =	vpop (erf);
	(erf) = vpow2.f32 v6  }
0xa8: {  	v35 =	vld [tilespmem:s0+$0x5FE0];
	v1 =	vsel vm6, v1, v27;
	[tilespmem:s3+$0x6000] =	vst v30  }
0xa9: {  	v37 =	vld [tilespmem:s0+$0x5FF0];
	v1 =	vsel vm7, v1, v31;
	v36 =	vmul.f32 v8, v25;
	v9 =	vpop (erf);
	[tilespmem:s3+$0x6010] =	vst v33  }
0xaa: {  	v38 =	vmul.f32 v9, v29;
	v7 =	vpop (erf);
	[tilespmem:v28+s26+$0x0] =	vst.idx.msk $0xffff, v1  }
0xab: {  	[tilespmem:s0+$0x5FA0] =	vst v36;
	v39 =	vmul.f32 v7, v32;
	v6 =	vpop (erf)  }
0xac: {  	[tilespmem:s0+$0x5FB0] =	vst v38;
	v40 =	vmul.f32 v6, v34;
	v5 =	vpop (erf)  }
0xad: {  	[tilespmem:s0+$0x5FC0] =	vst v39;
	v2 =	vmul.f32 v5, v35;
	v4 =	vpop (erf)  }
0xae: {  	v42 =	vld [tilespmem:s0+$0x1010];
	s5 =	sor.u32 $0x2, s31;
	[tilespmem:s0+$0x5FD0] =	vst v40;
	v41 =	vmul.f32 v4, v37  }
0xaf: {  	v43 =	vld [tilespmem:s0+$0x3810];
	s15 =	sshll.u32 s5, $0x7;
	[tilespmem:s0+$0x5FE0] =	vst v2  }
0xb0: {  	v44 =	vld [tilespmem:s15+$0xFA0];
	[tilespmem:s0+$0x5FF0] =	vst v41;
	v3 =	vpop (erf)  }
0xb1: {  	v45 =	vld [tilespmem:s15+$0x37A0]  }
0xb2: {  	v46 =	vld [tilespmem:s15+$0xFB0]  }
0xb3: {  	v47 =	vld [tilespmem:s15+$0x37B0]  }
0xb4: {  	v48 =	vld [tilespmem:s15+$0xFC0]  }
0xb5: {  	v15 =	vld [tilespmem:s15+$0x37C0]  }
0xb6: {  	v16 =	vld [tilespmem:s15+$0xFD0]  }
0xb7: {  	v17 =	vld [tilespmem:s15+$0x37D0]  }
0xb8: {  	v18 =	vld [tilespmem:s15+$0xFE0]  }
0xb9: {  	v19 =	vld [tilespmem:s15+$0x37E0]  }
0xba: {  	v20 =	vld [tilespmem:s15+$0xFF0]  }
0xbb: {  	v21 =	vld [tilespmem:s15+$0x37F0]  }
0xbc: {  	v22 =	vld [tilespmem:s15+$0x1000]  }
0xbd: {  	v23 =	vld [tilespmem:s15+$0x3800]  }
0xbe: {  	s11 =	sor.u32 $0x3, s31;
	v24 =	vld [tilespmem:s15+$0x1010]  }
0xbf: {  	s12 =	sshll.u32 s11, $0x7;
	v25 =	vld [tilespmem:s15+$0x3810]  }
0xc0: {  	v26 =	vld [tilespmem:s12+$0xFA0]  }
0xc1: {  	v27 =	vld [tilespmem:s12+$0x37A0]  }
0xc2: {  	v28 =	vld [tilespmem:s12+$0xFB0]  }
0xc3: {  	v29 =	vld [tilespmem:s12+$0x37B0]  }
0xc4: {  	v30 =	vld [tilespmem:s12+$0xFC0]  }
0xc5: {  	v31 =	vld [tilespmem:s12+$0x37C0]  }
0xc6: {  	v32 =	vld [tilespmem:s12+$0xFD0]  }
0xc7: {  	v49 =	vld [tilespmem:s12+$0x37D0]  }
0xc8: {  	v33 =	vld [tilespmem:s12+$0xFE0]  }
0xc9: {  	v50 =	vld [tilespmem:s12+$0x37E0]  }
0xca: {  	v51 =	vld [tilespmem:s12+$0xFF0]  }
0xcb: {  	v1 =	vmul.f32 v43, v42;
	v34 =	vld [tilespmem:s12+$0x37F0]  }
0xcc: {  	v52 =	vld [tilespmem:s12+$0x1000]  }
0xcd: {  	(xrf2) =	vadd.scan.msk.f32 $0xffff, v1;
	v53 =	vld [tilespmem:s12+$0x3800]  }
0xce: {  	s19 =	sor.u32 $0x4, s31;
	v35 =	vld [tilespmem:s12+$0x1010]  }
0xcf: {  	s3 =	sshll.u32 s19, $0x7;
	v54 =	vld [tilespmem:s12+$0x3810]  }
0xd0: {  	v55 =	vld [tilespmem:s3+$0xFB0];
	v10 =	vmul.f32 v45, v44  }
0xd1: {  	v58 =	vld [tilespmem:s3+$0x37D0];
	v12 =	vmul.f32 v47, v46  }
0xd2: {  	v63 =	vld [tilespmem:s3+$0x37F0];
	v14 =	vmul.f32 v15, v48;
	(xrf2) =	vadd.scan.msk.f32 $0xffff, v10  }
0xd3: {  	v38 =	vld [tilespmem:s3+$0x3800];
	v16 =	vmul.f32 v17, v16;
	(xrf2) =	vadd.scan.msk.f32 $0xffff, v12  }
0xd4: {  	v39 =	vld [tilespmem:s3+$0x1010];
	(xrf2) =	vadd.scan.msk.f32 $0xffff, v14  }
0xd5: {  	v41 =	vld [tilespmem:s3+$0x3810];
	(xrf2) =	vadd.scan.msk.f32 $0xffff, v16;
	v16 =	vmul.f32 v19, v18  }
0xd6: {  	v15 =	vld [tilespmem:s3+$0xFA0]  }
0xd7: {  	v17 =	vld [tilespmem:s3+$0x37A0];
	v36, _, _ =	vpop (xrf2);
	(xrf2) =	vadd.scan.msk.f32 $0xffff, v16  }
0xd8: {  	s17 =	sor.u32 $0x5, s31;
	v57 =	vmul.f32 v25, v24;
	v25 =	vld [tilespmem:s3+$0x37E0];
	(v2sf) =	vpush v36, $0xF  }
0xd9: {  	s10 =	sshll.u32 s17, $0x7;
	v60 =	vmul.f32 v27, v26;
	v26 =	vld [tilespmem:s3+$0xFF0]  }
0xda: {  	v44 =	vld [tilespmem:s10+$0xFA0];
	v19 =	vmul.f32 v21, v20  }
0xdb: {  	v45 =	vld [tilespmem:s10+$0x37A0]  }
0xdc: {  	v47 =	vld [tilespmem:s10+$0xFB0];
	(xrf2) =	vadd.scan.msk.f32 $0xffff, v19;
	v19 =	vmul.f32 v23, v22;
	v56, _, _ =	vpop (xrf2)  }
0xdd: {  	v2 =	vmul.f32 v49, v32;
	v49 =	vld [tilespmem:s10+$0x37B0];
	(v2sf) =	vpush v56, $0xF;
	v59, _, _ =	vpop (xrf2)  }
0xde: {  	v1 =	vmul.f32 v50, v33;
	v50 =	vld [tilespmem:s10+$0xFC0];
	(xrf2) =	vadd.scan.msk.f32 $0xffff, v19;
	(v2sf) =	vpush v59, $0xF;
	v0, _, _ =	vpop (xrf2)  }
0xdf: {  	v61 =	vmul.f32 v29, v28;
	v28 =	vld [tilespmem:s10+$0x1000];
	(xrf2) =	vadd.scan.msk.f32 $0xffff, v57;
	(v2sf) =	vpush v0, $0xF;
	v37, _, _ =	vpop (xrf2)  }
0xe0: {  	v62 =	vmul.f32 v31, v30;
	v31 =	vld [tilespmem:s10+$0x3800];
	(v2sf) =	vpush v37, $0xF  }
0xe1: {  	v33 =	vld [tilespmem:s10+$0x1010];
	(xrf2) =	vadd.scan.msk.f32 $0xffff, v60;
	v40, _, _ =	vpop (xrf2)  }
0xe2: {  	v29 =	vld [tilespmem:s0+$0x6000];
	(xrf2) =	vadd.scan.msk.f32 $0xffff, v61;
	(v2sf) =	vpush v40, $0xF  }
0xe3: {  	v18 =	vld [tilespmem:s3+$0x37B0];
	(xrf2) =	vadd.scan.msk.f32 $0xffff, v62  }
0xe4: {  	v20 =	vld [tilespmem:s3+$0xFC0];
	(xrf2) =	vadd.scan.msk.f32 $0xffff, v2  }
0xe5: {  	v43 =	vmul.f32 v34, v51;
	v15 =	vmul.f32 v17, v15;
	v17 =	vld [tilespmem:s10+$0x37C0];
	(xrf2) =	vadd.scan.msk.f32 $0xffff, v1  }
0xe6: {  	v10 =	vmul.f32 v53, v52;
	v22 =	vld [tilespmem:s3+$0xFD0];
	v42, _, _ =	vpop (xrf2)  }
0xe7: {  	v12 =	vmul.f32 v54, v35;
	v11 =	vmul.f32 v45, v44;
	v16 =	vld [tilespmem:s3+$0x37C0];
	(xrf2) =	vadd.scan.msk.f32 $0xffff, v43;
	(v2sf) =	vpush v42, $0xF;
	s16 =	spop (v2sf)  }
0xe8: {  	v32 =	vmul.f32 v49, v47;
	v45 =	vmul.f32 v31, v28;
	v36 =	vld [tilespmem:s3+$0x1000];
	(xrf2) =	vadd.scan.msk.f32 $0xffff, v10;
	v46, _, _ =	vpop (xrf2);
	s16 =	smul.f32 $2.500000000e-01, s16  }
0xe9: {  	v28 =	vmul.f32 v3, v29;
	v19 =	vld [tilespmem:s3+$0xFE0];
	v54 =	vmul.f32 v18, v55;
	(v2sf) =	vpush v46, $0xF;
	v48, _, _ =	vpop (xrf2)  }
0xea: {  	v55 =	vld [tilespmem:s10+$0xFD0];
	v34 =	vmul.f32 v17, v50;
	(v2sf) =	vpush v48, $0xF;
	v52 =	vmov s16  }
0xeb: {  	v8 =	vnsel vm0, $0x0, v8;
	v17 =	vld [tilespmem:s10+$0x3810];
	v57 =	vmul.f32 v58, v22;
	v51, _, _ =	vpop (xrf2);
	(xrf2) =	vadd.scan.msk.f32 $0xffff, v12;
	v18 =	vmul.f32 $1.442695020e+00, v52  }
0xec: {  	v58 =	vld [tilespmem:s10+$0xFE0];
	v62 =	vmul.f32 v63, v26;
	(v2sf) =	vpush v51, $0xF;
	v53, _, _ =	vpop (xrf2);
	(xrf2) =	vadd.scan.msk.f32 $0xffff, v15;
	v15 =	vmul.f32 v16, v20;
	s28 =	spop (v2sf)  }
0xed: {  	s14 =	sshll.u32 s14, $0x4;
	v63 =	vld [tilespmem:s10+$0xFF0];
	v0 =	vlaneseq.u32;
	(v2sf) =	vpush v53, $0xF;
	v56, _, _ =	vpop (xrf2);
	(xrf2) =	vadd.scan.msk.f32 $0xffff, v54;
	v18 =	vbroadcast v18, $0x0;
	s16 =	smul.f32 $2.500000000e-01, s28;
	s8 =	spop (v2sf)  }
0xee: {  	v0 =	vor.u32 s14, v0;
	(v2sf) =	vpush v56, $0xF;
	v60, _, _ =	vpop (xrf2);
	(xrf2) =	vadd.scan.msk.f32 $0xffff, v15;
	v15 =	vmul.f32 v25, v19;
	v19 =	vld [tilespmem:s10+$0x37E0];
	s28 =	spop (v2sf)  }
0xef: {  	(v2sf) =	vpush v60, $0xF;
	v61, _, _ =	vpop (xrf2);
	(erf) = vpow2.f32 v18;
	v18 =	vld [tilespmem:s10+$0x37F0];
	v59 =	vmov s16;
	s16 =	smul.f32 $2.500000000e-01, s8;
	s8 =	spop (v2sf)  }
0xf0: {  	v2 =	vmul.f32 v41, v39;
	[tilespmem:$0x1FFE0] =	vst v0;
	v16 =	vld [tilespmem:s10+$0x37D0];
	(xrf2) =	vadd.scan.msk.f32 $0xffff, v57;
	(v2sf) =	vpush v61, $0xF;
	s8 =	smul.f32 $2.500000000e-01, s8  }
0xf1: {  	(xrf2) =	vadd.scan.msk.f32 $0xffff, v15;
	v15 =	vmul.f32 v38, v36;
	v27, _, _ =	vpop (xrf2);
	s28 =	smul.f32 $2.500000000e-01, s28;
	v22 =	vmul.f32 $1.442695020e+00, v59;
	v26 =	vmov s16;
	s14 =	spop (v2sf);
	s16 =	sor.u32 $0x6, s31  }
0xf2: {  	v48 =	vmul.f32 v17, v33;
	(xrf2) =	vadd.scan.msk.f32 $0xffff, v62;
	(v2sf) =	vpush v27, $0xF;
	v30, _, _ =	vpop (xrf2);
	v36 =	vmov s8;
	s8 =	smul.f32 $2.500000000e-01, s14;
	s14 =	sshll.u32 s16, $0x7  }
0xf3: {  	(xrf2) =	vadd.scan.msk.f32 $0xffff, v15;
	(v2sf) =	vpush v30, $0xF;
	v40 =	vmul.f32 v19, v58;
	v24 =	vbroadcast v22, $0x0;
	v19 =	vld [tilespmem:s14+$0xFA0]  }
0xf4: {  	(xrf2) =	vadd.scan.msk.f32 $0xffff, v2;
	v35 =	vmov s28;
	v22 =	vmul.f32 $1.442695020e+00, v26;
	v42 =	vmul.f32 v18, v63;
	v18 =	vld [tilespmem:s14+$0x37A0]  }
0xf5: {  	s5 =	sshll.u32 s5, $0x4;
	v38 =	vmul.f32 v16, v55;
	v55 =	vlaneseq.u32;
	(xrf2) =	vadd.scan.msk.f32 $0xffff, v11;
	v39 =	vmul.f32 $1.442695020e+00, v35;
	v49 =	vld [tilespmem:s14+$0xFB0]  }
0xf6: {  	v0 =	vor.u32 s5, v55;
	v37, _, _ =	vpop (xrf2);
	(xrf2) =	vadd.scan.msk.f32 $0xffff, v32;
	s28 =	spop (v2sf);
	v46 =	vmul.f32 $1.442695020e+00, v36;
	v51 =	vld [tilespmem:s14+$0x37B0];
	v15 =	vbroadcast v22, $0x0  }
0xf7: {  	(v2sf) =	vpush v37, $0xF;
	v16, _, _ =	vpop (xrf2);
	(xrf2) =	vadd.scan.msk.f32 $0xffff, v34;
	s28 =	smul.f32 $2.500000000e-01, s28;
	(erf) = vpow2.f32 v24;
	v14 =	vbroadcast v39, $0x0  }
0xf8: {  	v41, _, _ =	vpop (xrf2);
	(xrf2) =	vadd.scan.msk.f32 $0xffff, v38;
	v12 =	vbroadcast v46, $0x0;
	(erf) = vpow2.f32 v15;
	v15 =	vmov s8;
	s8 =	spop (v2sf)  }
0xf9: {  	v44, _, _ =	vpop (xrf2);
	v43 =	vmov s28;
	s8 =	smul.f32 $2.500000000e-01, s8;
	s28 =	spop (v2sf);
	(erf) = vpow2.f32 v14;
	v15 =	vmul.f32 $1.442695020e+00, v15  }
0xfa: {  	v53 =	vld [tilespmem:s14+$0xFC0];
	(xrf2) =	vadd.scan.msk.f32 $0xffff, v40;
	v47, _, _ =	vpop (xrf2);
	(v2sf) =	vpush v16, $0xF;
	s28 =	smul.f32 $2.500000000e-01, s28;
	v18 =	vmul.f32 v18, v19;
	(erf) = vpow2.f32 v12  }
0xfb: {  	(xrf2) =	vadd.scan.msk.f32 $0xffff, v42;
	v16, _, _ =	vpop (xrf2);
	(v2sf) =	vpush v41, $0xF;
	v19 =	vld [tilespmem:s14+$0x37C0];
	v10 =	vmul.f32 v51, v49;
	v59 =	vbroadcast v15, $0x0  }
0xfc: {  	v58 =	vld [tilespmem:s14+$0xFD0];
	(xrf2) =	vadd.scan.msk.f32 $0xffff, v45;
	v52, _, _ =	vpop (xrf2);
	v50 =	vmov s8;
	s8 =	spop (v2sf);
	v15 =	vmul.f32 $1.442695020e+00, v43;
	v17 =	vmov s28  }
0xfd: {  	v42 =	vld [tilespmem:s14+$0xFE0];
	(xrf2) =	vadd.scan.msk.f32 $0xffff, v48;
	v54, _, _ =	vpop (xrf2);
	s8 =	smul.f32 $2.500000000e-01, s8;
	s28 =	spop (v2sf);
	(v2sf) =	vpush v44, $0xF;
	v14 =	vmul.f32 $1.442695020e+00, v50;
	(erf) = vpow2.f32 v59  }
0xfe: {  	v56, _, _ =	vpop (xrf2);
	(xrf2) =	vadd.scan.msk.f32 $0xffff, v18;
	v18 =	vld [tilespmem:s14+$0x37D0];
	s5 =	smul.f32 $2.500000000e-01, s28;
	s28 =	spop (v2sf);
	(v2sf) =	vpush v47, $0xF;
	v41 =	vbroadcast v15, $0x0;
	v15 =	vmul.f32 $1.442695020e+00, v17  }
0xff: {  	v44 =	vld [tilespmem:s14+$0x37E0];
	v61, _, _ =	vpop (xrf2);
	v57 =	vmov s8;
	s8 =	smul.f32 $2.500000000e-01, s28;
	s28 =	spop (v2sf);
	(v2sf) =	vpush v16, $0xF;
	v14 =	vbroadcast v14, $0x0  }
0x100: {  	v62, _, _ =	vpop (xrf2);
	v60 =	vmov s5;
	s5 =	smul.f32 $2.500000000e-01, s28;
	s28 =	spop (v2sf);
	(v2sf) =	vpush v52, $0xF;
	v19 =	vmul.f32 v19, v53  }
0x101: {  	v33 =	vld [tilespmem:s0+$0x6010];
	v16, _, _ =	vpop (xrf2);
	(erf) = vpow2.f32 v41;
	v48 =	vbroadcast v15, $0x0;
	v63 =	vmov s8  }
0x102: {  	v35 =	vld [tilespmem:s15+$0x5FA0];
	s8 =	smul.f32 $2.500000000e-01, s28;
	s28 =	spop (v2sf);
	v43, _, _ =	vpop (xrf2);
	(xrf2) =	vadd.scan.msk.f32 $0xffff, v10;
	(erf) = vpow2.f32 v14;
	v55 =	vmul.f32 $1.442695020e+00, v60;
	v17 =	vmov s5  }
0x103: {  	v50 =	vld [tilespmem:s14+$0x37F0];
	s5 =	smul.f32 $2.500000000e-01, s28;
	s28 =	spop (v2sf);
	(v2sf) =	vpush v54, $0xF;
	v47 =	vmul.f32 v18, v58;
	(xrf2) =	vadd.scan.msk.f32 $0xffff, v19;
	v19 =	vmul.f32 $1.442695020e+00, v57  }
0x104: {  	v60 =	vld [tilespmem:s14+$0x3810];
	v45, _, _ =	vpop (xrf2);
	v10 =	vmul.f32 v44, v42;
	(erf) = vpow2.f32 v48;
	v57 =	vlaneseq.u32  }
0x105: {  	v18 =	vld [tilespmem:s14+$0xFF0];
	v15 =	vpop (erf);
	v30 =	vmul.f32 $1.442695020e+00, v63;
	v11 =	vmov s8;
	(v2sf) =	vpush v56, $0xF  }
0x106: {  	v58 =	vld [tilespmem:s14+$0x1010];
	v46, _, _ =	vpop (xrf2);
	s8 =	smul.f32 $2.500000000e-01, s28;
	v59 =	vbroadcast v55, $0x0;
	v38 =	vmul.f32 v15, v33;
	v21 =	vmov s5  }
0x107: {  	[tilespmem:$0x1FFF0] =	vst v0;
	v54 =	vld [tilespmem:s15+$0x5FB0];
	v13 =	vpop (erf);
	(v2sf) =	vpush v61, $0xF;
	v53 =	vbroadcast v19, $0x0;
	v0 =	vbroadcast v30, $0x0  }
0x108: {  	s11 =	sshll.u32 s11, $0x4;
	v49, _, _ =	vpop (xrf2);
	(xrf2) =	vadd.scan.msk.f32 $0xffff, v47;
	v33 =	vmul.f32 v13, v35;
	v13 =	vnsel vm0, $0x0, v13;
	v12 =	vmov s8  }
0x109: {  	v61 =	vld [tilespmem:s15+$0x5FC0];
	s8 =	spop (v2sf);
	v51, _, _ =	vpop (xrf2);
	(v2sf) =	vpush v62, $0xF;
	(xrf2) =	vadd.scan.msk.f32 $0xffff, v10;
	v10 =	vor.u32 s11, v57;
	v48 =	vmul.f32 $1.442695020e+00, v21  }
0x10a: {  	v52 =	vld [tilespmem:s14+$0x1000];
	s5 =	smul.f32 $2.500000000e-01, s8;
	(v2sf) =	vpush v16, $0xF;
	v19 =	vpop (erf);
	(erf) = vpow2.f32 v53;
	v12 =	vmul.f32 $1.442695020e+00, v12  }
0x10b: {  	v16 =	vld [tilespmem:s14+$0x3800];
	(v2sf) =	vpush v43, $0xF;
	v56, _, _ =	vpop (xrf2);
	v18 =	vmul.f32 v50, v18;
	v22 =	vmul.f32 v60, v58  }
0x10c: {  	v63 =	vld [tilespmem:s15+$0x5FF0];
	v20 =	vpop (erf);
	v30 =	vmul.f32 v19, v54;
	v13 =	vsel vm1, v13, v19;
	v39 =	vmov s5  }
0x10d: {  	v2 =	vld [tilespmem:s15+$0x6000];
	(v2sf) =	vpush v45, $0xF;
	v25 =	vpop (erf);
	v12 =	vbroadcast v12, $0x0;
	v13 =	vsel vm2, v13, v20  }
0x10e: {  	s28 =	spop (v2sf);
	(v2sf) =	vpush v46, $0xF;
	(xrf2) =	vadd.scan.msk.f32 $0xffff, v18;
	v18 =	vld [tilespmem:s15+$0x5FD0];
	v26 =	vpop (erf);
	(erf) = vpow2.f32 v59;
	v27 =	vmul.f32 v20, v61  }
0x10f: {  	v39 =	vmul.f32 $1.442695020e+00, v39;
	s11 =	smul.f32 $2.500000000e-01, s28;
	s28 =	spop (v2sf);
	(v2sf) =	vpush v49, $0xF;
	v31 =	vpop (erf);
	(erf) = vpow2.f32 v0  }
0x110: {  	s8 =	smul.f32 $2.500000000e-01, s28;
	v62, _, _ =	vpop (xrf2);
	(v2sf) =	vpush v51, $0xF;
	v14 =	vmul.f32 v16, v52;
	v16 =	vld [tilespmem:s15+$0x5FE0];
	v51 =	vmul.f32 $1.442695020e+00, v17  }
0x111: {  	v47 =	vld [tilespmem:s15+$0x6010];
	v35 =	vpop (erf);
	v24 =	vmul.f32 v31, v63;
	v40 =	vmov s11;
	s11 =	spop (v2sf);
	(v2sf) =	vpush v56, $0xF  }
0x112: {  	v1, _, _ =	vpop (xrf2);
	v17 =	vmul.f32 v35, v2;
	v42 =	vmov s8;
	s28 =	spop (v2sf);
	(v2sf) =	vpush v62, $0xF;
	(xrf2) =	vadd.scan.msk.f32 $0xffff, v14  }
0x113: {  	v41 =	vld [tilespmem:s12+$0x5FA0];
	s5 =	smul.f32 $2.500000000e-01, s11;
	v61 =	vbroadcast v51, $0x0;
	s11 =	spop (v2sf);
	(v2sf) =	vpush v1, $0xF;
	v46, _, _ =	vpop (xrf2);
	(xrf2) =	vadd.scan.msk.f32 $0xffff, v22;
	v22 =	vmul.f32 v25, v18  }
0x114: {  	v43 =	vld [tilespmem:s12+$0x5FB0];
	s8 =	smul.f32 $2.500000000e-01, s28;
	v50 =	vmul.f32 $1.442695020e+00, v42;
	s28 =	spop (v2sf);
	(v2sf) =	vpush v46, $0xF;
	v46 =	vmul.f32 $1.442695020e+00, v11  }
0x115: {  	v36 =	vpop (erf);
	v44 =	vmov s5;
	s5 =	smul.f32 $2.500000000e-01, s11;
	(erf) = vpow2.f32 v61;
	v23 =	vmul.f32 v26, v16  }
0x116: {  	v18, _, _ =	vpop (xrf2);
	v45 =	vmov s8;
	v16 =	vmul.f32 v36, v47;
	v44 =	vmul.f32 $1.442695020e+00, v44  }
0x117: {  	v60 =	vld [tilespmem:s12+$0x5FC0];
	v37 =	vpop (erf);
	v49 =	vmov s5;
	s11 =	spop (v2sf);
	v2 =	vbroadcast v46, $0x0;
	v45 =	vmul.f32 $1.442695020e+00, v45  }
0x118: {  	s8 =	smul.f32 $2.500000000e-01, s28;
	s28 =	spop (v2sf);
	(v2sf) =	vpush v18, $0xF;
	v34 =	vpop (erf);
	v18 =	vmul.f32 v37, v41;
	v44 =	vbroadcast v44, $0x0  }
0x119: {  	v63 =	vlaneseq.u32;
	s5 =	smul.f32 $2.500000000e-01, s11;
	v49 =	vmul.f32 $1.442695020e+00, v49;
	v14 =	vmul.f32 v34, v43  }
0x11a: {  	v54 =	vmov s8;
	s8 =	smul.f32 $2.500000000e-01, s28;
	s28 =	sshll.u32 s19, $0x4;
	(erf) = vpow2.f32 v2;
	v45 =	vbroadcast v45, $0x0  }
0x11b: {  	s11 =	spop (v2sf);
	v41 =	vpop (erf);
	v54 =	vmul.f32 $1.442695020e+00, v54;
	v55 =	vmov s5;
	v11 =	vor.u32 s28, v63  }
0x11c: {  	v62, _, _ =	vpop (xrf2);
	s5 =	smul.f32 $2.500000000e-01, s11;
	v21 =	vmul.f32 v41, v60;
	v60 =	vbroadcast v48, $0x0;
	v56 =	vmov s8;
	s8 =	spop (v2sf)  }
0x11d: {  	(v2sf) =	vpush v62, $0xF;
	v62 =	vmul.f32 $1.442695020e+00, v40;
	v63 =	vbroadcast v39, $0x0;
	s8 =	smul.f32 $2.500000000e-01, s8;
	s19 =	spop (v2sf)  }
0x11e: {  	v40 =	vlaneseq.u32;
	v49 =	vbroadcast v49, $0x0;
	v54 =	vbroadcast v54, $0x0;
	s28 =	spop (v2sf);
	s11 =	smul.f32 $2.500000000e-01, s19  }
0x11f: {  	v52 =	vmov s5;
	(erf) = vpow2.f32 v60;
	v32 =	vbroadcast v62, $0x0;
	s19 =	spop (v2sf);
	s5 =	smul.f32 $2.500000000e-01, s28  }
0x120: {  	(erf) = vpow2.f32 v12;
	v52 =	vmul.f32 $1.442695020e+00, v52;
	v53 =	vmov s8;
	s8 =	smul.f32 $2.500000000e-01, s19;
	s28 =	spop (v2sf)  }
0x121: {  	v47, _, _ =	vpop (xrf2);
	(erf) = vpow2.f32 v63;
	v63 =	vsel vm1, v8, v9;
	v57 =	vmov s11;
	s19 =	spop (v2sf);
	s11 =	smul.f32 $2.500000000e-01, s28  }
0x122: {  	v51 =	vld [tilespmem:s12+$0x5FD0];
	(v2sf) =	vpush v47, $0xF;
	v7 =	vsel vm2, v63, v7;
	v47 =	vmov s5;
	s28 =	spop (v2sf);
	s5 =	smul.f32 $2.500000000e-01, s19  }
0x123: {  	(erf) = vpow2.f32 v32;
	v7 =	vsel vm3, v7, v6;
	v46 =	vmov s8;
	s8 =	smul.f32 $2.500000000e-01, s28;
	s19 =	spop (v2sf)  }
0x124: {  	v58 =	vld [tilespmem:s12+$0x5FE0];
	v61, _, _ =	vpop (xrf2);
	v20 =	vbroadcast v52, $0x0;
	v5 =	vsel vm4, v7, v5;
	v48 =	vmov s11;
	s28 =	spop (v2sf);
	s11 =	smul.f32 $2.500000000e-01, s19  }
0x125: {  	v59 =	vld [tilespmem:s12+$0x5FF0];
	v7 =	vmul.f32 $1.442695020e+00, v55;
	(v2sf) =	vpush v61, $0xF;
	v43 =	vmov s5;
	s19 =	sshll.u32 s17, $0x4;
	s5 =	smul.f32 $2.500000000e-01, s28;
	s28 =	spop (v2sf)  }
0x126: {  	v0 =	vld [tilespmem:s12+$0x6010];
	v61 =	vbroadcast v50, $0x0;
	v50 =	vpop (erf);
	v39 =	vmov s8;
	v12 =	vor.u32 s19, v40;
	s8 =	smul.f32 $2.500000000e-01, s28;
	s19 =	spop (v2sf)  }
0x127: {  	v1 =	vld [tilespmem:s3+$0x5FA0];
	v57 =	vmul.f32 $1.442695020e+00, v57;
	v5 =	vsel vm5, v5, v4;
	v9 =	vmul.f32 v50, v51;
	s28 =	smul.f32 $2.500000000e-01, s19;
	s19 =	sor.u32 $0x7, s31  }
0x128: {  	v60 =	vld [tilespmem:s12+$0x6000];
	v7 =	vbroadcast v7, $0x0;
	v3 =	vsel vm6, v5, v3;
	v5 =	vmul.f32 $1.442695020e+00, v56;
	s17 =	sshll.u32 s19, $0x7  }
0x129: {  	v51 =	vpop (erf);
	v48 =	vmul.f32 $1.442695020e+00, v48;
	(erf) = vpow2.f32 v61;
	v3 =	vsel vm7, v3, v15;
	v62 =	vld [tilespmem:s17+$0xFA0]  }
0x12a: {  	v40 =	vmov s11;
	(erf) = vpow2.f32 v44;
	v44 =	vmul.f32 v51, v58;
	v61 =	vld [tilespmem:s17+$0x37A0]  }
0x12b: {  	v2 =	vpop (erf);
	v5 =	vbroadcast v5, $0x0;
	v42 =	vmov s5;
	(erf) = vpow2.f32 v45;
	s11 =	spop (v2sf);
	v63 =	vld [tilespmem:s17+$0xFB0]  }
0x12c: {  	v45 =	vmul.f32 v2, v59;
	v32 =	vmov s8;
	(erf) = vpow2.f32 v49;
	s5 =	smul.f32 $2.500000000e-01, s11;
	v58 =	vld [tilespmem:s17+$0x37B0]  }
0x12d: {  	v29 =	vmov s28;
	v59 =	vld [tilespmem:s17+$0x37C0];
	(erf) = vpow2.f32 v54;
	v54 =	vpop (erf);
	v32 =	vmul.f32 $1.442695020e+00, v32;
	s28 =	spop (v2sf)  }
0x12e: {  	v56 =	vld [tilespmem:s17+$0xFD0];
	v15 =	vmul.f32 v54, v60;
	(erf) = vpow2.f32 v7;
	v8 =	vmov s5;
	s5 =	smul.f32 $2.500000000e-01, s28  }
0x12f: {  	(erf) = vpow2.f32 v5;
	v55 =	vmul.f32 v61, v62;
	v61 =	vld [tilespmem:s17+$0xFC0]  }
0x130: {  	v19 =	vld [tilespmem:s17+$0x37E0];
	v32 =	vbroadcast v32, $0x0;
	v8 =	vmul.f32 $1.442695020e+00, v8;
	v6 =	vmov s5  }
0x131: {  	v62 =	vld [tilespmem:s3+$0x5FB0];
	v6 =	vmul.f32 $1.442695020e+00, v6;
	(xrf2) =	vadd.scan.msk.f32 $0xffff, v55;
	v55 =	vmul.f32 v58, v63  }
0x132: {  	v60 =	vld [tilespmem:s17+$0x37D0];
	v8 =	vbroadcast v8, $0x0;
	v58 =	vpop (erf);
	v63 =	vmul.f32 $1.442695020e+00, v53  }
0x133: {  	v13 =	vsel vm3, v13, v25;
	v53 =	vld [tilespmem:s17+$0xFF0];
	v6 =	vbroadcast v6, $0x0;
	v49 =	vmul.f32 v58, v0;
	(xrf2) =	vadd.scan.msk.f32 $0xffff, v55  }
0x134: {  	v13 =	vsel vm4, v13, v26;
	v26 =	vpop (erf);
	v5 =	vbroadcast v63, $0x0;
	v63 =	vld [tilespmem:s17+$0x37F0];
	v61 =	vmul.f32 v59, v61  }
0x135: {  	[tilespmem:s0+$0x6000] =	vst v28;
	v13 =	vsel vm5, v13, v31;
	(erf) = vpow2.f32 v20;
	v55 =	vbroadcast v57, $0x0;
	v31 =	vpop (erf);
	v59 =	vld [tilespmem:s17+$0xFE0]  }
0x136: {  	[tilespmem:s15+$0x5FB0] =	vst v30;
	v1 =	vmul.f32 v26, v1;
	v30 =	vmul.f32 v31, v62;
	(xrf2) =	vadd.scan.msk.f32 $0xffff, v61  }
0x137: {  	[tilespmem:s0+$0x6010] =	vst v38;
	v62 =	vmul.f32 $1.442695020e+00, v46;
	v61 =	vmul.f32 v60, v56;
	v56 =	vsel vm6, v13, v35  }
0x138: {  	[tilespmem:s15+$0x5FA0] =	vst v33;
	v33 =	vld [tilespmem:s17+$0x1000];
	(erf) = vpow2.f32 v5;
	v60 =	vmul.f32 $1.442695020e+00, v47;
	v5 =	vsel vm7, v56, v36;
	v36 =	vpop (erf)  }
0x139: {  	[tilespmem:s15+$0x5FC0] =	vst v27;
	(erf) = vpow2.f32 v55;
	(xrf2) =	vadd.scan.msk.f32 $0xffff, v61;
	v61 =	vld [tilespmem:s17+$0x3800];
	v28 =	vmul.f32 v63, v53;
	v46 =	vpop (erf)  }
0x13a: {  	[tilespmem:s15+$0x5FF0] =	vst v24;
	v55 =	vld [tilespmem:s17+$0x3810];
	v63 =	vnsel vm0, $0x0, v37;
	v35 =	vbroadcast v60, $0x0;
	v19 =	vmul.f32 v19, v59;
	v27 =	vpop (erf)  }
0x13b: {  	[tilespmem:s15+$0x5FD0] =	vst v22;
	v38 =	vbroadcast v62, $0x0;
	v53 =	vld [tilespmem:s17+$0x1010];
	v56 =	vsel vm1, v63, v34;
	v63 =	vmul.f32 $1.442695020e+00, v43;
	v57, _, _ =	vpop (xrf2)  }
0x13c: {  	(erf) = vpow2.f32 v35;
	v22 =	vsel vm2, v56, v41;
	v24 =	vpop (erf);
	(xrf2) =	vadd.scan.msk.f32 $0xffff, v19;
	v19 =	vld [tilespmem:s3+$0x5FF0];
	(v2sf) =	vpush v57, $0xF  }
0x13d: {  	[tilespmem:s15+$0x6000] =	vst v17;
	v59 =	vbroadcast v48, $0x0;
	(erf) = vpow2.f32 v38;
	v22 =	vsel vm3, v22, v50;
	v57 =	vld [tilespmem:s3+$0x6000];
	v52, _, _ =	vpop (xrf2)  }
0x13e: {  	v17 =	vld [tilespmem:s10+$0x5FB0];
	v37 =	vpop (erf);
	v43 =	vbroadcast v63, $0x0;
	(xrf2) =	vadd.scan.msk.f32 $0xffff, v28;
	v13 =	vmul.f32 v61, v33;
	(v2sf) =	vpush v52, $0xF  }
0x13f: {  	v60 =	vld [tilespmem:s3+$0x6010];
	(erf) = vpow2.f32 v59;
	v41 =	vsel vm4, v22, v51;
	v34 =	vpop (erf);
	v51 =	vmul.f32 $1.442695020e+00, v39  }
0x140: {  	v28 =	vmul.f32 v55, v53;
	v2 =	vsel vm5, v41, v2;
	(erf) = vpow2.f32 v43;
	v61, _, _ =	vpop (xrf2);
	(xrf2) =	vadd.scan.msk.f32 $0xffff, v13  }
0x141: {  	[tilespmem:s15+$0x6010] =	vst v16;
	s8 =	spop (v2sf);
	v35 =	vpop (erf);
	v55 =	vmul.f32 $1.442695020e+00, v40;
	v2 =	vsel vm6, v2, v54;
	v54 =	vbroadcast v51, $0x0  }
0x142: {  	[tilespmem:s12+$0x5FB0] =	vst v14;
	s5 =	smul.f32 $2.500000000e-01, s8;
	v14 =	vpop (erf);
	v16 =	vmul.f32 v24, v19;
	v19 =	vmul.f32 v37, v57;
	(xrf2) =	vadd.scan.msk.f32 $0xffff, v28  }
0x143: {  	[tilespmem:s15+$0x5FE0] =	vst v23;
	(v2sf) =	vpush v61, $0xF;
	v57 =	vmul.f32 v14, v17;
	v17 =	vmul.f32 $1.442695020e+00, v42  }
0x144: {  	[tilespmem:s12+$0x5FA0] =	vst v18;
	v4 =	vmov s5;
	v18 =	vmul.f32 v34, v60;
	v60 =	vbroadcast v55, $0x0;
	v48, _, _ =	vpop (xrf2)  }
0x145: {  	[tilespmem:s12+$0x5FC0] =	vst v21;
	s11 =	spop (v2sf);
	v62 =	vld [tilespmem:s10+$0x5FA0];
	(erf) = vpow2.f32 v54;
	(v2sf) =	vpush v48, $0xF;
	v17 =	vbroadcast v17, $0x0  }
0x146: {  	[tilespmem:s12+$0x5FD0] =	vst v9;
	v0 =	vld [tilespmem:s3+$0x5FC0];
	v4 =	vmul.f32 $1.442695020e+00, v4;
	s5 =	smul.f32 $2.500000000e-01, s11;
	(erf) = vpow2.f32 v60;
	v52, _, _ =	vpop (xrf2)  }
0x147: {  	[tilespmem:s12+$0x5FE0] =	vst v44;
	v59 =	vld [tilespmem:s10+$0x5FD0];
	(erf) = vpow2.f32 v17;
	v17 =	vmul.f32 $1.442695020e+00, v29;
	(v2sf) =	vpush v52, $0xF  }
0x148: {  	v25 =	vld [tilespmem:s3+$0x5FE0];
	[tilespmem:s12+$0x5FF0] =	vst v45;
	v26 =	vnsel vm0, $0x0, v26;
	v4 =	vbroadcast v4, $0x0;
	v7 =	vmov s5;
	v56, _, _ =	vpop (xrf2)  }
0x149: {  	[tilespmem:s12+$0x6000] =	vst v15;
	v20 =	vld [tilespmem:s3+$0x5FD0];
	v13 =	vsel vm7, v2, v58;
	v58 =	vpop (erf);
	(v2sf) =	vpush v56, $0xF;
	v17 =	vbroadcast v17, $0x0  }
0x14a: {  	v15 =	vsel vm1, v26, v31;
	[tilespmem:s12+$0x6010] =	vst v49;
	v49 =	vmul.f32 $1.442695020e+00, v7;
	v50 =	vld [tilespmem:s10+$0x5FC0];
	v53 =	vmul.f32 v35, v62;
	v62, _, _ =	vpop (xrf2)  }
0x14b: {  	s15 =	sshll.u32 s16, $0x4;
	[tilespmem:s3+$0x5FA0] =	vst v1;
	v0 =	vmul.f32 v36, v0;
	v41 =	vsel vm2, v15, v36;
	v38 =	vpop (erf);
	s16 =	spop (v2sf);
	(v2sf) =	vpush v62, $0xF  }
0x14c: {  	v1 =	vsel vm3, v41, v46;
	[tilespmem:s3+$0x6010] =	vst v18;
	v18 =	vld [tilespmem:s10+$0x6010];
	v15 =	vmul.f32 v38, v59;
	(erf) = vpow2.f32 v32;
	v43, _, _ =	vpop (xrf2)  }
0x14d: {  	[tilespmem:s3+$0x5FB0] =	vst v30;
	v63 =	vld [tilespmem:s10+$0x5FE0];
	v1 =	vsel vm4, v1, v27;
	(erf) = vpow2.f32 v17;
	v17 =	vpop (erf);
	s28 =	spop (v2sf);
	(v2sf) =	vpush v43, $0xF  }
0x14e: {  	v20 =	vmul.f32 v46, v20;
	v25 =	vmul.f32 v27, v25;
	[tilespmem:s3+$0x5FC0] =	vst v0;
	v40 =	vld [tilespmem:s10+$0x5FF0];
	v1 =	vsel vm5, v1, v24;
	v45 =	vpop (erf)  }
0x14f: {  	[tilespmem:s10+$0x5FA0] =	vst v53;
	v53 =	vnsel vm0, $0x0, v35;
	v61 =	vlaneseq.u32;
	v22 =	vmul.f32 v58, v50;
	v42 =	vld [tilespmem:s10+$0x6000];
	s0 =	smul.f32 $2.500000000e-01, s16;
	v48 =	vpop (erf)  }
0x150: {  	v51 =	vld [tilespmem:s14+$0x5FA0];
	v1 =	vsel vm6, v1, v37;
	v14 =	vsel vm1, v53, v14;
	[tilespmem:s10+$0x5FD0] =	vst v15;
	(erf) = vpow2.f32 v8;
	v15 =	vpop (erf)  }
0x151: {  	[tilespmem:s3+$0x5FD0] =	vst v20;
	v54 =	vld [tilespmem:s14+$0x5FB0];
	(erf) = vpow2.f32 v6;
	v39 =	vmov s0;
	s0 =	smul.f32 $2.500000000e-01, s28;
	v18 =	vmul.f32 v15, v18  }
0x152: {  	v14 =	vsel vm2, v14, v58;
	[tilespmem:s10+$0x5FB0] =	vst v57;
	v57 =	vld [tilespmem:s14+$0x5FC0];
	v46 =	vmul.f32 v17, v63;
	(erf) = vpow2.f32 v4;
	s5 =	spop (v2sf)  }
0x153: {  	v6 =	vbroadcast v49, $0x0;
	v47 =	vmul.f32 v45, v40;
	v44 =	vmov s0;
	s0 =	smul.f32 $2.500000000e-01, s5;
	[tilespmem:s10+$0x6010] =	vst v18;
	v18 =	vld [tilespmem:$0x1FFE0]  }
0x154: {  	[tilespmem:s3+$0x6000] =	vst v19;
	v14 =	vsel vm3, v14, v38;
	v19 =	vmul.f32 v48, v42;
	v52 =	vmul.f32 $1.442695020e+00, v39;
	s8 =	spop (v2sf)  }
0x155: {  	v60 =	vld [tilespmem:s14+$0x5FD0];
	[tilespmem:s3+$0x5FF0] =	vst v16;
	(erf) = vpow2.f32 v6;
	v58 =	vpop (erf);
	v0 =	vmul.f32 $1.442695020e+00, v44;
	v16 =	vmov s0;
	s0 =	smul.f32 $2.500000000e-01, s8  }
0x156: {  	[tilespmem:s3+$0x5FE0] =	vst v25;
	v24 =	vld [tilespmem:s14+$0x5FF0];
	v14 =	vsel vm4, v14, v17;
	v59 =	vpop (erf);
	v23 =	vmul.f32 v58, v51;
	v55 =	vbroadcast v52, $0x0;
	s11 =	spop (v2sf)  }
0x157: {  	v27 =	vld [tilespmem:s14+$0x6000];
	[tilespmem:v10+s26+$0x0] =	vst.idx.msk $0xffff, v13;
	v2 =	vmul.f32 v59, v54;
	v17 =	vpop (erf);
	v0 =	vbroadcast v0, $0x0;
	v50 =	vmov s0;
	s0 =	smul.f32 $2.500000000e-01, s11  }
0x158: {  	v1 =	vsel vm7, v1, v34;
	[tilespmem:s10+$0x5FC0] =	vst v22;
	v6 =	vmul.f32 v17, v57;
	v63 =	vpop (erf);
	(erf) = vpow2.f32 v55;
	s12 =	spop (v2sf)  }
0x159: {  	[tilespmem:v11+s26+$0x0] =	vst.idx.msk $0xffff, v1;
	v16 =	vmul.f32 $1.442695020e+00, v16;
	v29 =	vpop (erf);
	(erf) = vpow2.f32 v0;
	v56 =	vmov s0;
	s0 =	smul.f32 $2.500000000e-01, s12  }
0x15a: {  	v9 =	vor.u32 s15, v61;
	[tilespmem:s10+$0x6000] =	vst v19;
	v0 =	vmul.f32 v63, v60;
	v33 =	vpop (erf);
	v7 =	vmul.f32 $1.442695020e+00, v50;
	s15 =	spop (v2sf)  }
0x15b: {  	v16 =	vbroadcast v16, $0x0;
	v36 =	vmul.f32 v33, v24;
	v37 =	vpop (erf);
	[tilespmem:v18+s26+$0x0] =	vst.idx.msk $0xffff, v3;
	v18 =	vld [tilespmem:$0x1FFF0];
	v19 =	vmov s0;
	s0 =	smul.f32 $2.500000000e-01, s15  }
0x15c: {  	[tilespmem:s10+$0x5FE0] =	vst v46;
	v1 =	vmul.f32 v37, v27;
	v7 =	vbroadcast v7, $0x0;
	s16 =	spop (v2sf)  }
0x15d: {  	[tilespmem:s10+$0x5FF0] =	vst v47;
	(erf) = vpow2.f32 v16;
	v62 =	vmul.f32 $1.442695020e+00, v56;
	v16 =	vmov s0;
	s0 =	smul.f32 $2.500000000e-01, s16  }
0x15e: {  	v30 =	vld [tilespmem:s14+$0x6010];
	[tilespmem:s14+$0x5FA0] =	vst v23;
	(erf) = vpow2.f32 v7;
	v25 =	vmul.f32 $1.442695020e+00, v19  }
0x15f: {  	[tilespmem:s14+$0x5FB0] =	vst v2;
	v20 =	vbroadcast v62, $0x0;
	v28 =	vmul.f32 $1.442695020e+00, v16;
	v26 =	vmov s0  }
0x160: {  	v34 =	vld [tilespmem:s17+$0x5FA0];
	[tilespmem:s14+$0x5FC0] =	vst v6;
	v7 =	vbroadcast v25, $0x0;
	v10 =	vmul.f32 $1.442695020e+00, v26  }
0x161: {  	v38 =	vld [tilespmem:s17+$0x5FB0];
	[tilespmem:s14+$0x5FD0] =	vst v0;
	(erf) = vpow2.f32 v20;
	v8 =	vbroadcast v28, $0x0  }
0x162: {  	v61 =	vsel vm5, v14, v45;
	v40 =	vld [tilespmem:s17+$0x5FC0];
	v39 =	vpop (erf);
	[tilespmem:s14+$0x5FF0] =	vst v36;
	(erf) = vpow2.f32 v7;
	v10 =	vbroadcast v10, $0x0  }
0x163: {  	v4 =	vnsel vm0, $0x0, v58;
	v41 =	vmul.f32 v39, v30;
	[tilespmem:v18+s26+$0x0] =	vst.idx.msk $0xffff, v5;
	v18 =	vld [tilespmem:s14+$0x5FE0];
	(erf) = vpow2.f32 v8  }
0x164: {  	v31 =	vsel vm1, v4, v59;
	v3 =	vsel vm6, v61, v48;
	[tilespmem:s14+$0x6000] =	vst v1;
	v43 =	vpop (erf);
	(erf) = vpow2.f32 v10  }
0x165: {  	v42 =	vld [tilespmem:s17+$0x5FD0];
	v2 =	vsel vm2, v31, v17;
	v22 =	vsel vm7, v3, v15;
	[tilespmem:s14+$0x6010] =	vst v41;
	v46 =	vmul.f32 v43, v34;
	v45 =	vpop (erf)  }
0x166: {  	v44 =	vld [tilespmem:s17+$0x5FE0];
	v35 =	vsel vm3, v2, v63;
	[tilespmem:v12+s26+$0x0] =	vst.idx.msk $0xffff, v22;
	v49 =	vmul.f32 v45, v38;
	v48 =	vpop (erf)  }
0x167: {  	v47 =	vld [tilespmem:s17+$0x5FF0];
	v0 =	vsel vm4, v35, v29;
	[tilespmem:s17+$0x5FA0] =	vst v46;
	v8 =	vmul.f32 v48, v40  }
0x168: {  	v50 =	vld [tilespmem:s17+$0x6000];
	v0 =	vsel vm5, v0, v33;
	[tilespmem:s17+$0x5FB0] =	vst v49;
	v32 =	vmul.f32 v29, v18  }
0x169: {  	v53 =	vld [tilespmem:s17+$0x6010];
	v0 =	vsel vm6, v0, v37;
	v52 =	vnsel vm0, $0x0, v43;
	v51 =	vpop (erf);
	[tilespmem:s17+$0x5FC0] =	vst v8  }
0x16a: {  	v0 =	vsel vm7, v0, v39;
	v55 =	vsel vm1, v52, v45;
	v56 =	vmul.f32 v51, v42;
	v54 =	vpop (erf);
	[tilespmem:s14+$0x5FE0] =	vst v32  }
0x16b: {  	s19 =	sshll.u32 s19, $0x4;
	v16 =	vlaneseq.u32;
	v1 =	vmul.f32 v54, v44;
	v57 =	vpop (erf);
	[tilespmem:v9+s26+$0x0] =	vst.idx.msk $0xffff, v0;
	v0 =	vsel vm2, v55, v48  }
0x16c: {  	p0 =	slt.u32 s31, $0x48;
	v60 =	vor.u32 s19, v16;
	[tilespmem:s17+$0x5FD0] =	vst v56;
	v59 =	vmul.f32 v57, v47;
	v0 =	vsel vm3, v0, v51;
	v58 =	vpop (erf)  }
.Ltmp4:
0x16d: {  	[tilespmem:s17+$0x5FE0] =	vst v1;
	v0 =	vsel vm4, v0, v54;
	v61 =	vmul.f32 v58, v50;
	v62 =	vpop (erf);
	(pc) =	sbr.rel @p0 .LBB2_4-.Ltmp4, $4  }
0x16e: {  	[tilespmem:s17+$0x5FF0] =	vst v59;
	v0 =	vsel vm5, v0, v57;
	v63 =	vmul.f32 v62, v53  }
0x16f: {  	v0 =	vsel vm6, v0, v58;
	[tilespmem:s17+$0x6000] =	vst v61  }
0x170: {  	s28 =	sadd.s32 $0x8, s31;
	v0 =	vsel vm7, v0, v62;
	[tilespmem:s17+$0x6010] =	vst v63  }
0x171: {  	s31 =	smov.u32 s28;
	[tilespmem:v60+s26+$0x0] =	vst.idx.msk $0xffff, v0  }
0x172: {  	p0 =	sne.s32 s30, $0x18  }
.Ltmp5:
0x173: {  	_ = 	snop;
	(pc) =	sbr.rel @!p0 .LBB2_6-.Ltmp5, $1  }
0x174: {  	_ =	sdelay $0x3  }
0x175: {  	s0 =	sadd.s32 $0x1, s30  }
0x176: {  	s3 =	smul.u32 $0x50, s0;
	_ =	sdelay $0x1  }
0x177: {  	s19 =	smul.u32 $0x140, s30;
	s5 =	sadd.s32 $0x7D0, s3  }
0x178: {  	[tilespmem:s22], [sflag:$0x1] =	stream.indirect.gather [hbm4b:s1+s21], $0x80, s5, s21, $0xb8;
	[tilespmem:$0x1F4A0] =	vst v63  }
0x179: {  	s28 =	sshra.s32 s19, $0x2  }
0x17a: {  	[tilespmem:s23], [sflag:$0x1] =	stream.indirect.gather [hbm4b:s6+s21], $0x80, s3, s21, $0xb8;
	[tilespmem:$0x1F4A0] =	vst v63  }
0x17b: {  	s3 =	sadd.s32 $0x7D0, s28  }
0x17c: {  	[spmem:s2] =	stream.indirect.scatter.add.f32 [tilespmem:s24], [sflag:$0x2], $0x80, s3, s21, $0xb8;
	[tilespmem:$0x1F4A0] =	vst v63  }
0x17d: {  	_ =	swait.ge [sflag:s18], $0x2800  }
0x17e: {  	[sflag:s18] =	ssyncset.done $0x0  }
0x17f: {  	p0 =	sne.s32 s0, $0x19;
	[sflag:s18] =	ssyncadd.s32 $0xFFFFD800  }
0x180: {  	[spmem:s4] =	stream.indirect.scatter.add.f32 [tilespmem:s26], [sflag:$0x2], $0x10, s3, s21, $0xb8;
	[tilespmem:$0x1F4A0] =	vst v63  }
.Ltmp6:
0x181: {  	_ = 	snop;
	(pc) =	sbr.rel @p0 .LBB2_3-.Ltmp6, $4  }
.Ltmp7:
0x182: {  	_ =	swait.ge [sflag:s18], $0x500;
	(pc) =	sbr.rel @!p0 .LBB2_8-.Ltmp7, $4  }
0x183: {  	s31 =	sadd.s32 $0x140, s19;
	[sflag:s18] =	ssyncset.done $0x0  }
0x184: {  	s30 =	smov.u32 s0;
	s3 =	sshra.s32 s31, $0x2;
	[sflag:s18] =	ssyncadd.s32 $0xFFFFFB00  }
0x185: {  	[tilespmem:s24], [sflag:$0x1] =	stream.indirect.gather [hbm4b:s7+s21], $0x80, s3, s21, $0xb8;
	[tilespmem:$0x1F4A0] =	vst v63  }
0x186: {  	_ = 	snop  }
.LBB2_10:
0x187: {  	_ =	sfence.sel $0x180000  }
0x188: {  	[bflag:$0x0] =	sbarrier.arrive $0xFFFF  }
0x189: {  	_ =	strace $0x90000047  }
0x18a: {  	s0 =	stileid.u32;
	[bflag:$0x2] =	sbarrier.arrive $0xFFFF  }
0x18b: {  	p0 =	sne.s32 s0, $0x0;
	s0 =	rddreg [dreg:$0x5]  }
0x18c: {  	s0 =	sadd.s32 @!p0 $0x100000, s0  }
0x18d: {  	[sflag:s0] =	ssyncadd.tile.s32 @!p0 $0x1;
	_ =	shalt  }
.Lfunc_end2:
_tile_overlayer_lowered:
.L_overlay_start_2:
0x18e: {  	(tag) =	ssettag $0x2  }
0x18f: {  	s0 =	rddreg [dreg:$0x0];
	s2 =	stileid.u32  }
0x190: {  	s1 =	rddreg [dreg:$0x1];
	p0 =	sne.s32 s2, $0x0  }
0x191: {  	s3 =	rddreg [dreg:$0x2];
	[bflag:$0x3] =	sbarrier.arrive $0xFFFF;
	s2 =	simm.s32 @!p0 $0x1C02  }
0x192: {  	[timem:s3], [sflag:s2] =	dma.local @!p0 [hbm:s0], s1  }
0x193: {  	s0 =	simm.s32 @!p0 $0x2  }
0x194: {  	_ =	swait.ge @!p0 [sflag:s0], s1  }
0x195: {  	s1 =	ssub.s32 @!p0 $0x0, s1;
	[sflag:s0] =	ssyncset.done @!p0 $0x0  }
0x196: {  	[sflag:s0] =	ssyncadd.s32 @!p0 s1  }
0x197: {  	[bflag:$0x3] =	sbarrier.arrive $0xFFFF  }
0x198: {  	_ =	shalt  }

</sc_bundles>
